<compile_context>
chip_gen: v7x
topology: tpu7x:2x2x1
jax: 0.10.2.dev20260603
libtpu: 0.0.44.dev20260713+nightly
codegen_flags: <defaults>
</compile_context>

<pallas_src>
import functools

import jax
import jax.numpy as jnp
from jax import lax
from jax.experimental import pallas as pl
from jax.experimental.pallas import tpu as pltpu
from jax.experimental.pallas import tpu_sc as plsc

_NC, _NS, _L = 2, 16, 16
_NW = _NC * _NS
_C = 1048576
_NROWS = 12

_CW = _C // _NW
_CH = _CW // 2
_NQ = 2 * _NROWS
_NB = 4
assert _CH % 8 == 0 and _CH % _L == 0
_UNROLL = 8

_mesh = plsc.VectorSubcoreMesh(
    core_axis_name="c", subcore_axis_name="s",
    num_cores=_NC, num_subcores=_NS)

_ABS_MASK = 0x7FFFFFFF
_INF_BITS = 0x7F800000


def _row_addr(k):
    q = k // 4
    m = k % 4
    b = m + 1 + jnp.where((m >= 2) & (q > 0), 1, 0)
    return q, b


@functools.partial(
    pl.kernel,
    out_type=jax.ShapeDtypeStruct((_NW, _L), jnp.int32),
    mesh=_mesh,
    scratch_types=[
        pltpu.VMEM((_CH,), jnp.float32),
        pltpu.VMEM((_CH,), jnp.float32),
        pltpu.VMEM((_CH,), jnp.float32),
        pltpu.VMEM((_CH,), jnp.float32),
        pltpu.VMEM((_L,), jnp.int32),
        pltpu.SemaphoreType.DMA,
        pltpu.SemaphoreType.DMA,
        pltpu.SemaphoreType.DMA,
        pltpu.SemaphoreType.DMA,
    ],
)
def _sc_masked_selfcmp(x_hbm, out_hbm, b0, b1, b2, b3, accv,
                       s0, s1, s2, s3):
    cid = lax.axis_index("c")
    sid = lax.axis_index("s")
    wid = sid * _NC + cid
    colbase = wid * _CW
    bufs = (b0, b1, b2, b3)
    sems = (s0, s1, s2, s3)

    absmask = jnp.full((_L,), _ABS_MASK, jnp.int32)

    def start(q, slot):
        a, b = _row_addr(q >> 1)
        cb = colbase + (q & 1) * _CH
        pltpu.async_copy(
            x_hbm.at[a, b, pl.ds(cb, _CH)], bufs[slot], sems[slot])

    def drain(slot):
        pltpu.make_async_copy(
            x_hbm.at[0, 1, pl.ds(colbase, _CH)],
            bufs[slot], sems[slot]).wait()

    def scan(slot, acc):
        buf = bufs[slot]

        def body(j, acc):
            base = j * (_L * _UNROLL)
            for u in range(_UNROLL):
                v = buf[pl.ds(base + u * _L, _L)]
                bits = lax.bitcast_convert_type(v, jnp.int32) & absmask
                acc = jnp.maximum(acc, bits)
            return acc
        return lax.fori_loop(0, _CH // (_L * _UNROLL), body, acc)

    for q in range(_NB - 1):
        start(jnp.int32(q), q)

    def step(g, acc):
        q0 = _NB * g
        for u in range(_NB):
            drain(u)

            @pl.when(q0 + u + (_NB - 1) < _NQ)
            def _(q0=q0, u=u):
                start(q0 + u + (_NB - 1), (u + _NB - 1) % _NB)

            acc = scan(u, acc)
        return acc

    acc = lax.fori_loop(0, _NQ // _NB, step, jnp.zeros((_L,), jnp.int32))

    accv[...] = acc
    pltpu.sync_copy(accv, out_hbm.at[wid])


def kernel(x):
    partials = _sc_masked_selfcmp(x)
    return jnp.max(partials) <= jnp.int32(_INF_BITS)

# --- scband reference (transcript-rebuilt; emitter-appended) ---
"""Pipeline reference for scband-my-model-61933428413793 (READ-ONLY COPY).

The authoritative reference and input builder live on the scoring server;
editing this copy changes nothing except your own understanding.
"""

import jax, jax.numpy as jnp
import numpy as np

MASK = np.array([[0, 1, 1, 1, 1, 0], [0, 1, 1, 0, 1, 1], [0, 1, 1, 0, 1, 1]], dtype=bool)


def setup_inputs(seed: int = 0) -> dict:
    key = jax.random.key(seed)
    x = jax.random.normal(key, (3, 6, 1048576), dtype=jnp.float32)
    return {"x": x}


def reference(x):
    # permute (2, 0, 1): [3, 6, C] -> [C, 3, 6]
    permuted = jnp.transpose(x, (2, 0, 1))
    C = permuted.shape[0]
    # torch.masked_select with mask [3,6] broadcast against [C,3,6];
    # since the mask is constant, precompute flat gather indices with numpy.
    mcols = np.nonzero(MASK.reshape(-1))[0]
    idx = (np.arange(C, dtype=np.int64)[:, None] * MASK.size + mcols[None, :]).reshape(-1)
    flat = permuted.reshape(-1)
    cpu_result = jnp.take(flat, jnp.asarray(idx))
    # the original module compares a CPU and a GPU run of the identical
    # computation; in jax both branches are the same computation.
    gpu_result = jnp.take(flat, jnp.asarray(idx))
    return jnp.all(cpu_result == gpu_result)

if __name__ == "__main__":
    import jax
    _d = setup_inputs()
    print(jax.jit(kernel)(*tuple(_d.values())))

</pallas_src>

<mosaic_0001>
#map = affine_map<(d0, d1) -> (0, 0, 0)>
#map1 = affine_map<(d0, d1) -> (0, 0)>
module attributes {stable_mosaic.version = 14 : i64} {
  func.func @_sc_masked_selfcmp(%arg0: i32, %arg1: i32, %arg2: memref<3x6x1048576xf32, #tpu.memory_space<hbm>>, %arg3: memref<32x16xi32, #tpu.memory_space<hbm>>, %arg4: memref<16384xf32, #tpu.memory_space<vmem>>, %arg5: memref<16384xf32, #tpu.memory_space<vmem>>, %arg6: memref<16384xf32, #tpu.memory_space<vmem>>, %arg7: memref<16384xf32, #tpu.memory_space<vmem>>, %arg8: memref<16xi32, #tpu.memory_space<vmem>>, %arg9: memref<!tpu.dma_semaphore, #tpu.memory_space<semaphore_mem>>, %arg10: memref<!tpu.dma_semaphore, #tpu.memory_space<semaphore_mem>>, %arg11: memref<!tpu.dma_semaphore, #tpu.memory_space<semaphore_mem>>, %arg12: memref<!tpu.dma_semaphore, #tpu.memory_space<semaphore_mem>>) attributes {dimension_semantics = [#tpu.dimension_semantics<core_parallel>, #tpu.dimension_semantics<subcore_parallel>], iteration_bounds = array<i64: 2, 16>, scalar_prefetch = 0 : i64, scratch_operands = 9 : i64, tpu.core_type = #tpu.core_type<sc_vector_subcore>, window_params = [{transform_indices = #map}, {transform_indices = #map1}]} {
    %mul3A = arith.constant 2 : i32
    %mul3A_0 = arith.muli %arg1, %mul3A : i32
    %add3A = arith.addi %mul3A_0, %arg0 : i32
    %mul3A_1 = arith.constant 32768 : i32
    %mul3A_2 = arith.muli %add3A, %mul3A_1 : i32
    %broadcast_in_dim3A = arith.constant 2147483647 : i32
    %broadcast_in_dim3A_3 = vector.broadcast %broadcast_in_dim3A : i32 to vector<16xi32>
    %shift_right_arithmetic3A = arith.constant 0 : i32
    %shift_right_arithmetic3A_4 = arith.constant 1 : i32
    %shift_right_arithmetic3A_5 = arith.shrsi %shift_right_arithmetic3A, %shift_right_arithmetic3A_4 : i32
    %jit3A = arith.constant 4 : i32
    %div3A = arith.divsi %shift_right_arithmetic3A_5, %jit3A : i32
    %sign3A = arith.constant 0 : i32
    %sign3A_6 = arith.cmpi sgt, %shift_right_arithmetic3A_5, %sign3A : i32
    %sign3A_7 = arith.extui %sign3A_6 : i1 to i32
    %sign3A_8 = arith.constant 0 : i32
    %sign3A_9 = arith.cmpi slt, %shift_right_arithmetic3A_5, %sign3A_8 : i32
    %sign3A_10 = arith.extui %sign3A_9 : i1 to i32
    %sign3A_11 = arith.subi %sign3A_7, %sign3A_10 : i32
    %sign3A_12 = arith.constant 0 : i32
    %sign3A_13 = arith.cmpi sgt, %jit3A, %sign3A_12 : i32
    %sign3A_14 = arith.extui %sign3A_13 : i1 to i32
    %sign3A_15 = arith.constant 0 : i32
    %sign3A_16 = arith.cmpi slt, %jit3A, %sign3A_15 : i32
    %sign3A_17 = arith.extui %sign3A_16 : i1 to i32
    %sign3A_18 = arith.subi %sign3A_14, %sign3A_17 : i32
    %ne3A = arith.cmpi ne, %sign3A_11, %sign3A_18 : i32
    %rem3A = arith.remsi %shift_right_arithmetic3A_5, %jit3A : i32
    %ne3A_19 = arith.constant 0 : i32
    %ne3A_20 = arith.cmpi ne, %rem3A, %ne3A_19 : i32
    %and3A = arith.andi %ne3A, %ne3A_20 : i1
    %sub3A = arith.constant 1 : i32
    %sub3A_21 = arith.subi %div3A, %sub3A : i32
    %select_n3A = arith.select %and3A, %sub3A_21, %div3A : i32
    %jit3A_22 = arith.constant 4 : i32
    %eq3A = arith.constant 0 : i32
    %eq3A_23 = arith.cmpi eq, %jit3A_22, %eq3A : i32
    %jit3A_24 = arith.constant 1 : i32
    %select_n3A_25 = arith.select %eq3A_23, %jit3A_24, %jit3A_22 : i32
    %rem3A_26 = arith.remsi %shift_right_arithmetic3A_5, %select_n3A_25 : i32
    %ne3A_27 = arith.constant 0 : i32
    %ne3A_28 = arith.cmpi ne, %rem3A_26, %ne3A_27 : i32
    %lt3A = arith.constant 0 : i32
    %lt3A_29 = arith.cmpi slt, %rem3A_26, %lt3A : i32
    %lt3A_30 = arith.constant 0 : i32
    %lt3A_31 = arith.cmpi slt, %select_n3A_25, %lt3A_30 : i32
    %ne3A_32 = arith.xori %lt3A_29, %lt3A_31 : i1
    %and3A_33 = arith.andi %ne3A_32, %ne3A_28 : i1
    %add3A_34 = arith.addi %rem3A_26, %select_n3A_25 : i32
    %select_n3A_35 = arith.select %and3A_33, %add3A_34, %rem3A_26 : i32
    %add3A_36 = arith.constant 1 : i32
    %add3A_37 = arith.addi %select_n3A_35, %add3A_36 : i32
    %ge3A = arith.constant 2 : i32
    %ge3A_38 = arith.cmpi sge, %select_n3A_35, %ge3A : i32
    %gt3A = arith.constant 0 : i32
    %gt3A_39 = arith.cmpi sgt, %select_n3A, %gt3A : i32
    %and3A_40 = arith.andi %ge3A_38, %gt3A_39 : i1
    %jit3A_41 = arith.constant 1 : i32
    %jit3A_42 = arith.constant 0 : i32
    %select_n3A_43 = arith.select %and3A_40, %jit3A_41, %jit3A_42 : i32
    %add3A_44 = arith.addi %add3A_37, %select_n3A_43 : i32
    %and3A_45 = arith.constant 0 : i32
    %and3A_46 = arith.constant 1 : i32
    %and3A_47 = arith.andi %and3A_45, %and3A_46 : i32
    %mul3A_48 = arith.constant 16384 : i32
    %mul3A_49 = arith.muli %and3A_47, %mul3A_48 : i32
    %add3A_50 = arith.addi %mul3A_2, %mul3A_49 : i32
    %dma_start3A = tpu.memref_slice %arg2[%select_n3A, %add3A_44, %add3A_50] : memref<3x6x1048576xf32, #tpu.memory_space<hbm>> -> memref<1x1x16384xf32, #tpu.memory_space<hbm>>
    %dma_start3A_51 = tpu.memref_squeeze %dma_start3A : memref<1x1x16384xf32, #tpu.memory_space<hbm>> -> memref<16384xf32, #tpu.memory_space<hbm>>
    %dma_start3A_52 = tpu.memref_slice %arg2[%select_n3A, %add3A_44, %add3A_50] : memref<3x6x1048576xf32, #tpu.memory_space<hbm>> -> memref<1x1x16384xf32, #tpu.memory_space<hbm>>
    %dma_start3A_53 = tpu.memref_squeeze %dma_start3A_52 : memref<1x1x16384xf32, #tpu.memory_space<hbm>> -> memref<16384xf32, #tpu.memory_space<hbm>>
    tpu.enqueue_dma source(%dma_start3A_53 : memref<16384xf32, #tpu.memory_space<hbm>>) target(%arg4 : memref<16384xf32, #tpu.memory_space<vmem>>) target_semaphore(%arg9 : memref<!tpu.dma_semaphore, #tpu.memory_space<semaphore_mem>>)
    %shift_right_arithmetic3A_54 = arith.constant 1 : i32
    %shift_right_arithmetic3A_55 = arith.constant 1 : i32
    %shift_right_arithmetic3A_56 = arith.shrsi %shift_right_arithmetic3A_54, %shift_right_arithmetic3A_55 : i32
    %jit3A_57 = arith.constant 4 : i32
    %div3A_58 = arith.divsi %shift_right_arithmetic3A_56, %jit3A_57 : i32
    %sign3A_59 = arith.constant 0 : i32
    %sign3A_60 = arith.cmpi sgt, %shift_right_arithmetic3A_56, %sign3A_59 : i32
    %sign3A_61 = arith.extui %sign3A_60 : i1 to i32
    %sign3A_62 = arith.constant 0 : i32
    %sign3A_63 = arith.cmpi slt, %shift_right_arithmetic3A_56, %sign3A_62 : i32
    %sign3A_64 = arith.extui %sign3A_63 : i1 to i32
    %sign3A_65 = arith.subi %sign3A_61, %sign3A_64 : i32
    %sign3A_66 = arith.constant 0 : i32
    %sign3A_67 = arith.cmpi sgt, %jit3A_57, %sign3A_66 : i32
    %sign3A_68 = arith.extui %sign3A_67 : i1 to i32
    %sign3A_69 = arith.constant 0 : i32
    %sign3A_70 = arith.cmpi slt, %jit3A_57, %sign3A_69 : i32
    %sign3A_71 = arith.extui %sign3A_70 : i1 to i32
    %sign3A_72 = arith.subi %sign3A_68, %sign3A_71 : i32
    %ne3A_73 = arith.cmpi ne, %sign3A_65, %sign3A_72 : i32
    %rem3A_74 = arith.remsi %shift_right_arithmetic3A_56, %jit3A_57 : i32
    %ne3A_75 = arith.constant 0 : i32
    %ne3A_76 = arith.cmpi ne, %rem3A_74, %ne3A_75 : i32
    %and3A_77 = arith.andi %ne3A_73, %ne3A_76 : i1
    %sub3A_78 = arith.constant 1 : i32
    %sub3A_79 = arith.subi %div3A_58, %sub3A_78 : i32
    %select_n3A_80 = arith.select %and3A_77, %sub3A_79, %div3A_58 : i32
    %jit3A_81 = arith.constant 4 : i32
    %eq3A_82 = arith.constant 0 : i32
    %eq3A_83 = arith.cmpi eq, %jit3A_81, %eq3A_82 : i32
    %jit3A_84 = arith.constant 1 : i32
    %select_n3A_85 = arith.select %eq3A_83, %jit3A_84, %jit3A_81 : i32
    %rem3A_86 = arith.remsi %shift_right_arithmetic3A_56, %select_n3A_85 : i32
    %ne3A_87 = arith.constant 0 : i32
    %ne3A_88 = arith.cmpi ne, %rem3A_86, %ne3A_87 : i32
    %lt3A_89 = arith.constant 0 : i32
    %lt3A_90 = arith.cmpi slt, %rem3A_86, %lt3A_89 : i32
    %lt3A_91 = arith.constant 0 : i32
    %lt3A_92 = arith.cmpi slt, %select_n3A_85, %lt3A_91 : i32
    %ne3A_93 = arith.xori %lt3A_90, %lt3A_92 : i1
    %and3A_94 = arith.andi %ne3A_93, %ne3A_88 : i1
    %add3A_95 = arith.addi %rem3A_86, %select_n3A_85 : i32
    %select_n3A_96 = arith.select %and3A_94, %add3A_95, %rem3A_86 : i32
    %add3A_97 = arith.constant 1 : i32
    %add3A_98 = arith.addi %select_n3A_96, %add3A_97 : i32
    %ge3A_99 = arith.constant 2 : i32
    %ge3A_100 = arith.cmpi sge, %select_n3A_96, %ge3A_99 : i32
    %gt3A_101 = arith.constant 0 : i32
    %gt3A_102 = arith.cmpi sgt, %select_n3A_80, %gt3A_101 : i32
    %and3A_103 = arith.andi %ge3A_100, %gt3A_102 : i1
    %jit3A_104 = arith.constant 1 : i32
    %jit3A_105 = arith.constant 0 : i32
    %select_n3A_106 = arith.select %and3A_103, %jit3A_104, %jit3A_105 : i32
    %add3A_107 = arith.addi %add3A_98, %select_n3A_106 : i32
    %and3A_108 = arith.constant 1 : i32
    %and3A_109 = arith.constant 1 : i32
    %and3A_110 = arith.andi %and3A_108, %and3A_109 : i32
    %mul3A_111 = arith.constant 16384 : i32
    %mul3A_112 = arith.muli %and3A_110, %mul3A_111 : i32
    %add3A_113 = arith.addi %mul3A_2, %mul3A_112 : i32
    %dma_start3A_114 = tpu.memref_slice %arg2[%select_n3A_80, %add3A_107, %add3A_113] : memref<3x6x1048576xf32, #tpu.memory_space<hbm>> -> memref<1x1x16384xf32, #tpu.memory_space<hbm>>
    %dma_start3A_115 = tpu.memref_squeeze %dma_start3A_114 : memref<1x1x16384xf32, #tpu.memory_space<hbm>> -> memref<16384xf32, #tpu.memory_space<hbm>>
    %dma_start3A_116 = tpu.memref_slice %arg2[%select_n3A_80, %add3A_107, %add3A_113] : memref<3x6x1048576xf32, #tpu.memory_space<hbm>> -> memref<1x1x16384xf32, #tpu.memory_space<hbm>>
    %dma_start3A_117 = tpu.memref_squeeze %dma_start3A_116 : memref<1x1x16384xf32, #tpu.memory_space<hbm>> -> memref<16384xf32, #tpu.memory_space<hbm>>
    tpu.enqueue_dma source(%dma_start3A_117 : memref<16384xf32, #tpu.memory_space<hbm>>) target(%arg5 : memref<16384xf32, #tpu.memory_space<vmem>>) target_semaphore(%arg10 : memref<!tpu.dma_semaphore, #tpu.memory_space<semaphore_mem>>)
    %shift_right_arithmetic3A_118 = arith.constant 2 : i32
    %shift_right_arithmetic3A_119 = arith.constant 1 : i32
    %shift_right_arithmetic3A_120 = arith.shrsi %shift_right_arithmetic3A_118, %shift_right_arithmetic3A_119 : i32
    %jit3A_121 = arith.constant 4 : i32
    %div3A_122 = arith.divsi %shift_right_arithmetic3A_120, %jit3A_121 : i32
    %sign3A_123 = arith.constant 0 : i32
    %sign3A_124 = arith.cmpi sgt, %shift_right_arithmetic3A_120, %sign3A_123 : i32
    %sign3A_125 = arith.extui %sign3A_124 : i1 to i32
    %sign3A_126 = arith.constant 0 : i32
    %sign3A_127 = arith.cmpi slt, %shift_right_arithmetic3A_120, %sign3A_126 : i32
    %sign3A_128 = arith.extui %sign3A_127 : i1 to i32
    %sign3A_129 = arith.subi %sign3A_125, %sign3A_128 : i32
    %sign3A_130 = arith.constant 0 : i32
    %sign3A_131 = arith.cmpi sgt, %jit3A_121, %sign3A_130 : i32
    %sign3A_132 = arith.extui %sign3A_131 : i1 to i32
    %sign3A_133 = arith.constant 0 : i32
    %sign3A_134 = arith.cmpi slt, %jit3A_121, %sign3A_133 : i32
    %sign3A_135 = arith.extui %sign3A_134 : i1 to i32
    %sign3A_136 = arith.subi %sign3A_132, %sign3A_135 : i32
    %ne3A_137 = arith.cmpi ne, %sign3A_129, %sign3A_136 : i32
    %rem3A_138 = arith.remsi %shift_right_arithmetic3A_120, %jit3A_121 : i32
    %ne3A_139 = arith.constant 0 : i32
    %ne3A_140 = arith.cmpi ne, %rem3A_138, %ne3A_139 : i32
    %and3A_141 = arith.andi %ne3A_137, %ne3A_140 : i1
    %sub3A_142 = arith.constant 1 : i32
    %sub3A_143 = arith.subi %div3A_122, %sub3A_142 : i32
    %select_n3A_144 = arith.select %and3A_141, %sub3A_143, %div3A_122 : i32
    %jit3A_145 = arith.constant 4 : i32
    %eq3A_146 = arith.constant 0 : i32
    %eq3A_147 = arith.cmpi eq, %jit3A_145, %eq3A_146 : i32
    %jit3A_148 = arith.constant 1 : i32
    %select_n3A_149 = arith.select %eq3A_147, %jit3A_148, %jit3A_145 : i32
    %rem3A_150 = arith.remsi %shift_right_arithmetic3A_120, %select_n3A_149 : i32
    %ne3A_151 = arith.constant 0 : i32
    %ne3A_152 = arith.cmpi ne, %rem3A_150, %ne3A_151 : i32
    %lt3A_153 = arith.constant 0 : i32
    %lt3A_154 = arith.cmpi slt, %rem3A_150, %lt3A_153 : i32
    %lt3A_155 = arith.constant 0 : i32
    %lt3A_156 = arith.cmpi slt, %select_n3A_149, %lt3A_155 : i32
    %ne3A_157 = arith.xori %lt3A_154, %lt3A_156 : i1
    %and3A_158 = arith.andi %ne3A_157, %ne3A_152 : i1
    %add3A_159 = arith.addi %rem3A_150, %select_n3A_149 : i32
    %select_n3A_160 = arith.select %and3A_158, %add3A_159, %rem3A_150 : i32
    %add3A_161 = arith.constant 1 : i32
    %add3A_162 = arith.addi %select_n3A_160, %add3A_161 : i32
    %ge3A_163 = arith.constant 2 : i32
    %ge3A_164 = arith.cmpi sge, %select_n3A_160, %ge3A_163 : i32
    %gt3A_165 = arith.constant 0 : i32
    %gt3A_166 = arith.cmpi sgt, %select_n3A_144, %gt3A_165 : i32
    %and3A_167 = arith.andi %ge3A_164, %gt3A_166 : i1
    %jit3A_168 = arith.constant 1 : i32
    %jit3A_169 = arith.constant 0 : i32
    %select_n3A_170 = arith.select %and3A_167, %jit3A_168, %jit3A_169 : i32
    %add3A_171 = arith.addi %add3A_162, %select_n3A_170 : i32
    %and3A_172 = arith.constant 2 : i32
    %and3A_173 = arith.constant 1 : i32
    %and3A_174 = arith.andi %and3A_172, %and3A_173 : i32
    %mul3A_175 = arith.constant 16384 : i32
    %mul3A_176 = arith.muli %and3A_174, %mul3A_175 : i32
    %add3A_177 = arith.addi %mul3A_2, %mul3A_176 : i32
    %dma_start3A_178 = tpu.memref_slice %arg2[%select_n3A_144, %add3A_171, %add3A_177] : memref<3x6x1048576xf32, #tpu.memory_space<hbm>> -> memref<1x1x16384xf32, #tpu.memory_space<hbm>>
    %dma_start3A_179 = tpu.memref_squeeze %dma_start3A_178 : memref<1x1x16384xf32, #tpu.memory_space<hbm>> -> memref<16384xf32, #tpu.memory_space<hbm>>
    %dma_start3A_180 = tpu.memref_slice %arg2[%select_n3A_144, %add3A_171, %add3A_177] : memref<3x6x1048576xf32, #tpu.memory_space<hbm>> -> memref<1x1x16384xf32, #tpu.memory_space<hbm>>
    %dma_start3A_181 = tpu.memref_squeeze %dma_start3A_180 : memref<1x1x16384xf32, #tpu.memory_space<hbm>> -> memref<16384xf32, #tpu.memory_space<hbm>>
    tpu.enqueue_dma source(%dma_start3A_181 : memref<16384xf32, #tpu.memory_space<hbm>>) target(%arg6 : memref<16384xf32, #tpu.memory_space<vmem>>) target_semaphore(%arg11 : memref<!tpu.dma_semaphore, #tpu.memory_space<semaphore_mem>>)
    %broadcast_in_dim3A_182 = arith.constant 0 : i32
    %broadcast_in_dim3A_183 = vector.broadcast %broadcast_in_dim3A_182 : i32 to vector<16xi32>
    %scan3A = arith.constant 0 : i32
    %scan3A_184 = arith.constant 6 : i32
    %scan3A_185 = arith.addi %scan3A, %scan3A_184 : i32
    %scan3A_186 = arith.constant 1 : i32
    %scan3A_187 = scf.for %scan3A_192 = %scan3A to %scan3A_185 step %scan3A_186 iter_args(%scan3A_193 = %broadcast_in_dim3A_183) -> (vector<16xi32>)  : i32 {
      %mul3A_194 = arith.constant 4 : i32
      %mul3A_195 = arith.muli %mul3A_194, %scan3A_192 : i32
      %dma_wait3A = arith.constant 0 : i32
      %dma_wait3A_196 = arith.constant 1 : i32
      %dma_wait3A_197 = tpu.memref_slice %arg2[%dma_wait3A, %dma_wait3A_196, %mul3A_2] : memref<3x6x1048576xf32, #tpu.memory_space<hbm>> -> memref<1x1x16384xf32, #tpu.memory_space<hbm>>
      %dma_wait3A_198 = tpu.memref_squeeze %dma_wait3A_197 : memref<1x1x16384xf32, #tpu.memory_space<hbm>> -> memref<16384xf32, #tpu.memory_space<hbm>>
      %dma_wait3A_199 = tpu.memref_slice %arg2[%dma_wait3A, %dma_wait3A_196, %mul3A_2] : memref<3x6x1048576xf32, #tpu.memory_space<hbm>> -> memref<1x1x16384xf32, #tpu.memory_space<hbm>>
      %dma_wait3A_200 = tpu.memref_squeeze %dma_wait3A_199 : memref<1x1x16384xf32, #tpu.memory_space<hbm>> -> memref<16384xf32, #tpu.memory_space<hbm>>
      tpu.wait_dma2 semaphore(%arg9 : memref<!tpu.dma_semaphore, #tpu.memory_space<semaphore_mem>>) src(%dma_wait3A_200 : memref<16384xf32, #tpu.memory_space<hbm>>) dst(%arg4 : memref<16384xf32, #tpu.memory_space<vmem>>)
      %add3A_201 = arith.constant 0 : i32
      %add3A_202 = arith.addi %mul3A_195, %add3A_201 : i32
      %add3A_203 = arith.constant 3 : i32
      %add3A_204 = arith.addi %add3A_202, %add3A_203 : i32
      %lt3A_205 = arith.constant 24 : i32
      %lt3A_206 = arith.cmpi slt, %add3A_204, %lt3A_205 : i32
      %convert_element_type3A = arith.extui %lt3A_206 : i1 to i32
      %cond3A = arith.constant 0 : i32
      %cond3A_207 = arith.cmpi ne, %convert_element_type3A, %cond3A : i32
      scf.if %cond3A_207 {
        %add3A_277 = arith.constant 0 : i32
        %add3A_278 = arith.addi %mul3A_195, %add3A_277 : i32
        %add3A_279 = arith.constant 3 : i32
        %add3A_280 = arith.addi %add3A_278, %add3A_279 : i32
        %shift_right_arithmetic3A_281 = arith.constant 1 : i32
        %shift_right_arithmetic3A_282 = arith.shrsi %add3A_280, %shift_right_arithmetic3A_281 : i32
        %jit3A_283 = arith.constant 4 : i32
        %div3A_284 = arith.divsi %shift_right_arithmetic3A_282, %jit3A_283 : i32
        %sign3A_285 = arith.constant 0 : i32
        %sign3A_286 = arith.cmpi sgt, %shift_right_arithmetic3A_282, %sign3A_285 : i32
        %sign3A_287 = arith.extui %sign3A_286 : i1 to i32
        %sign3A_288 = arith.constant 0 : i32
        %sign3A_289 = arith.cmpi slt, %shift_right_arithmetic3A_282, %sign3A_288 : i32
        %sign3A_290 = arith.extui %sign3A_289 : i1 to i32
        %sign3A_291 = arith.subi %sign3A_287, %sign3A_290 : i32
        %sign3A_292 = arith.constant 0 : i32
        %sign3A_293 = arith.cmpi sgt, %jit3A_283, %sign3A_292 : i32
        %sign3A_294 = arith.extui %sign3A_293 : i1 to i32
        %sign3A_295 = arith.constant 0 : i32
        %sign3A_296 = arith.cmpi slt, %jit3A_283, %sign3A_295 : i32
        %sign3A_297 = arith.extui %sign3A_296 : i1 to i32
        %sign3A_298 = arith.subi %sign3A_294, %sign3A_297 : i32
        %ne3A_299 = arith.cmpi ne, %sign3A_291, %sign3A_298 : i32
        %rem3A_300 = arith.remsi %shift_right_arithmetic3A_282, %jit3A_283 : i32
        %ne3A_301 = arith.constant 0 : i32
        %ne3A_302 = arith.cmpi ne, %rem3A_300, %ne3A_301 : i32
        %and3A_303 = arith.andi %ne3A_299, %ne3A_302 : i1
        %sub3A_304 = arith.constant 1 : i32
        %sub3A_305 = arith.subi %div3A_284, %sub3A_304 : i32
        %select_n3A_306 = arith.select %and3A_303, %sub3A_305, %div3A_284 : i32
        %jit3A_307 = arith.constant 4 : i32
        %eq3A_308 = arith.constant 0 : i32
        %eq3A_309 = arith.cmpi eq, %jit3A_307, %eq3A_308 : i32
        %jit3A_310 = arith.constant 1 : i32
        %select_n3A_311 = arith.select %eq3A_309, %jit3A_310, %jit3A_307 : i32
        %rem3A_312 = arith.remsi %shift_right_arithmetic3A_282, %select_n3A_311 : i32
        %ne3A_313 = arith.constant 0 : i32
        %ne3A_314 = arith.cmpi ne, %rem3A_312, %ne3A_313 : i32
        %lt3A_315 = arith.constant 0 : i32
        %lt3A_316 = arith.cmpi slt, %rem3A_312, %lt3A_315 : i32
        %lt3A_317 = arith.constant 0 : i32
        %lt3A_318 = arith.cmpi slt, %select_n3A_311, %lt3A_317 : i32
        %ne3A_319 = arith.xori %lt3A_316, %lt3A_318 : i1
        %and3A_320 = arith.andi %ne3A_319, %ne3A_314 : i1
        %add3A_321 = arith.addi %rem3A_312, %select_n3A_311 : i32
        %select_n3A_322 = arith.select %and3A_320, %add3A_321, %rem3A_312 : i32
        %add3A_323 = arith.constant 1 : i32
        %add3A_324 = arith.addi %select_n3A_322, %add3A_323 : i32
        %ge3A_325 = arith.constant 2 : i32
        %ge3A_326 = arith.cmpi sge, %select_n3A_322, %ge3A_325 : i32
        %gt3A_327 = arith.constant 0 : i32
        %gt3A_328 = arith.cmpi sgt, %select_n3A_306, %gt3A_327 : i32
        %and3A_329 = arith.andi %ge3A_326, %gt3A_328 : i1
        %jit3A_330 = arith.constant 1 : i32
        %jit3A_331 = arith.constant 0 : i32
        %select_n3A_332 = arith.select %and3A_329, %jit3A_330, %jit3A_331 : i32
        %add3A_333 = arith.addi %add3A_324, %select_n3A_332 : i32
        %and3A_334 = arith.constant 1 : i32
        %and3A_335 = arith.andi %add3A_280, %and3A_334 : i32
        %mul3A_336 = arith.constant 16384 : i32
        %mul3A_337 = arith.muli %and3A_335, %mul3A_336 : i32
        %add3A_338 = arith.addi %mul3A_2, %mul3A_337 : i32
        %dma_start3A_339 = tpu.memref_slice %arg2[%select_n3A_306, %add3A_333, %add3A_338] : memref<3x6x1048576xf32, #tpu.memory_space<hbm>> -> memref<1x1x16384xf32, #tpu.memory_space<hbm>>
        %dma_start3A_340 = tpu.memref_squeeze %dma_start3A_339 : memref<1x1x16384xf32, #tpu.memory_space<hbm>> -> memref<16384xf32, #tpu.memory_space<hbm>>
        %dma_start3A_341 = tpu.memref_slice %arg2[%select_n3A_306, %add3A_333, %add3A_338] : memref<3x6x1048576xf32, #tpu.memory_space<hbm>> -> memref<1x1x16384xf32, #tpu.memory_space<hbm>>
        %dma_start3A_342 = tpu.memref_squeeze %dma_start3A_341 : memref<1x1x16384xf32, #tpu.memory_space<hbm>> -> memref<16384xf32, #tpu.memory_space<hbm>>
        tpu.enqueue_dma source(%dma_start3A_342 : memref<16384xf32, #tpu.memory_space<hbm>>) target(%arg7 : memref<16384xf32, #tpu.memory_space<vmem>>) target_semaphore(%arg12 : memref<!tpu.dma_semaphore, #tpu.memory_space<semaphore_mem>>)
      } else {
      }
      %scan3A_208 = arith.constant 0 : i32
      %scan3A_209 = arith.constant 128 : i32
      %scan3A_210 = arith.addi %scan3A_208, %scan3A_209 : i32
      %scan3A_211 = arith.constant 1 : i32
      %scan3A_212 = scf.for %scan3A_277 = %scan3A_208 to %scan3A_210 step %scan3A_211 iter_args(%scan3A_278 = %scan3A_193) -> (vector<16xi32>)  : i32 {
        %mul3A_279 = arith.constant 128 : i32
        %mul3A_280 = arith.muli %scan3A_277, %mul3A_279 : i32
        %add3A_281 = arith.constant 0 : i32
        %add3A_282 = arith.addi %mul3A_280, %add3A_281 : i32
        %get3A = arith.index_cast %add3A_282 : i32 to index
        %get3A_283 = tpu.vector_load %arg4[%get3A] {strides = array<i32>} : memref<16384xf32, #tpu.memory_space<vmem>>, vector<16xf32>,
        %get3A_284 = vector.shape_cast %get3A_283 : vector<16xf32> to vector<16xf32>
        %bitcast_convert_type3A = tpu.bitcast %get3A_284 : vector<16xf32> -> vector<16xi32>
        %and3A_285 = arith.andi %bitcast_convert_type3A, %broadcast_in_dim3A_3 : vector<16xi32>
        %max3A = arith.maxsi %scan3A_278, %and3A_285 : vector<16xi32>
        %add3A_286 = arith.constant 16 : i32
        %add3A_287 = arith.addi %mul3A_280, %add3A_286 : i32
        %get3A_288 = arith.index_cast %add3A_287 : i32 to index
        %get3A_289 = tpu.vector_load %arg4[%get3A_288] {strides = array<i32>} : memref<16384xf32, #tpu.memory_space<vmem>>, vector<16xf32>,
        %get3A_290 = vector.shape_cast %get3A_289 : vector<16xf32> to vector<16xf32>
        %bitcast_convert_type3A_291 = tpu.bitcast %get3A_290 : vector<16xf32> -> vector<16xi32>
        %and3A_292 = arith.andi %bitcast_convert_type3A_291, %broadcast_in_dim3A_3 : vector<16xi32>
        %max3A_293 = arith.maxsi %max3A, %and3A_292 : vector<16xi32>
        %add3A_294 = arith.constant 32 : i32
        %add3A_295 = arith.addi %mul3A_280, %add3A_294 : i32
        %get3A_296 = arith.index_cast %add3A_295 : i32 to index
        %get3A_297 = tpu.vector_load %arg4[%get3A_296] {strides = array<i32>} : memref<16384xf32, #tpu.memory_space<vmem>>, vector<16xf32>,
        %get3A_298 = vector.shape_cast %get3A_297 : vector<16xf32> to vector<16xf32>
        %bitcast_convert_type3A_299 = tpu.bitcast %get3A_298 : vector<16xf32> -> vector<16xi32>
        %and3A_300 = arith.andi %bitcast_convert_type3A_299, %broadcast_in_dim3A_3 : vector<16xi32>
        %max3A_301 = arith.maxsi %max3A_293, %and3A_300 : vector<16xi32>
        %add3A_302 = arith.constant 48 : i32
        %add3A_303 = arith.addi %mul3A_280, %add3A_302 : i32
        %get3A_304 = arith.index_cast %add3A_303 : i32 to index
        %get3A_305 = tpu.vector_load %arg4[%get3A_304] {strides = array<i32>} : memref<16384xf32, #tpu.memory_space<vmem>>, vector<16xf32>,
        %get3A_306 = vector.shape_cast %get3A_305 : vector<16xf32> to vector<16xf32>
        %bitcast_convert_type3A_307 = tpu.bitcast %get3A_306 : vector<16xf32> -> vector<16xi32>
        %and3A_308 = arith.andi %bitcast_convert_type3A_307, %broadcast_in_dim3A_3 : vector<16xi32>
        %max3A_309 = arith.maxsi %max3A_301, %and3A_308 : vector<16xi32>
        %add3A_310 = arith.constant 64 : i32
        %add3A_311 = arith.addi %mul3A_280, %add3A_310 : i32
        %get3A_312 = arith.index_cast %add3A_311 : i32 to index
        %get3A_313 = tpu.vector_load %arg4[%get3A_312] {strides = array<i32>} : memref<16384xf32, #tpu.memory_space<vmem>>, vector<16xf32>,
        %get3A_314 = vector.shape_cast %get3A_313 : vector<16xf32> to vector<16xf32>
        %bitcast_convert_type3A_315 = tpu.bitcast %get3A_314 : vector<16xf32> -> vector<16xi32>
        %and3A_316 = arith.andi %bitcast_convert_type3A_315, %broadcast_in_dim3A_3 : vector<16xi32>
        %max3A_317 = arith.maxsi %max3A_309, %and3A_316 : vector<16xi32>
        %add3A_318 = arith.constant 80 : i32
        %add3A_319 = arith.addi %mul3A_280, %add3A_318 : i32
        %get3A_320 = arith.index_cast %add3A_319 : i32 to index
        %get3A_321 = tpu.vector_load %arg4[%get3A_320] {strides = array<i32>} : memref<16384xf32, #tpu.memory_space<vmem>>, vector<16xf32>,
        %get3A_322 = vector.shape_cast %get3A_321 : vector<16xf32> to vector<16xf32>
        %bitcast_convert_type3A_323 = tpu.bitcast %get3A_322 : vector<16xf32> -> vector<16xi32>
        %and3A_324 = arith.andi %bitcast_convert_type3A_323, %broadcast_in_dim3A_3 : vector<16xi32>
        %max3A_325 = arith.maxsi %max3A_317, %and3A_324 : vector<16xi32>
        %add3A_326 = arith.constant 96 : i32
        %add3A_327 = arith.addi %mul3A_280, %add3A_326 : i32
        %get3A_328 = arith.index_cast %add3A_327 : i32 to index
        %get3A_329 = tpu.vector_load %arg4[%get3A_328] {strides = array<i32>} : memref<16384xf32, #tpu.memory_space<vmem>>, vector<16xf32>,
        %get3A_330 = vector.shape_cast %get3A_329 : vector<16xf32> to vector<16xf32>
        %bitcast_convert_type3A_331 = tpu.bitcast %get3A_330 : vector<16xf32> -> vector<16xi32>
        %and3A_332 = arith.andi %bitcast_convert_type3A_331, %broadcast_in_dim3A_3 : vector<16xi32>
        %max3A_333 = arith.maxsi %max3A_325, %and3A_332 : vector<16xi32>
        %add3A_334 = arith.constant 112 : i32
        %add3A_335 = arith.addi %mul3A_280, %add3A_334 : i32
        %get3A_336 = arith.index_cast %add3A_335 : i32 to index
        %get3A_337 = tpu.vector_load %arg4[%get3A_336] {strides = array<i32>} : memref<16384xf32, #tpu.memory_space<vmem>>, vector<16xf32>,
        %get3A_338 = vector.shape_cast %get3A_337 : vector<16xf32> to vector<16xf32>
        %bitcast_convert_type3A_339 = tpu.bitcast %get3A_338 : vector<16xf32> -> vector<16xi32>
        %and3A_340 = arith.andi %bitcast_convert_type3A_339, %broadcast_in_dim3A_3 : vector<16xi32>
        %max3A_341 = arith.maxsi %max3A_333, %and3A_340 : vector<16xi32>
        scf.yield %max3A_341 : vector<16xi32>
      }
      %scan3A_213 = arith.constant 128 : i32
      %dma_wait3A_214 = arith.constant 0 : i32
      %dma_wait3A_215 = arith.constant 1 : i32
      %dma_wait3A_216 = tpu.memref_slice %arg2[%dma_wait3A_214, %dma_wait3A_215, %mul3A_2] : memref<3x6x1048576xf32, #tpu.memory_space<hbm>> -> memref<1x1x16384xf32, #tpu.memory_space<hbm>>
      %dma_wait3A_217 = tpu.memref_squeeze %dma_wait3A_216 : memref<1x1x16384xf32, #tpu.memory_space<hbm>> -> memref<16384xf32, #tpu.memory_space<hbm>>
      %dma_wait3A_218 = tpu.memref_slice %arg2[%dma_wait3A_214, %dma_wait3A_215, %mul3A_2] : memref<3x6x1048576xf32, #tpu.memory_space<hbm>> -> memref<1x1x16384xf32, #tpu.memory_space<hbm>>
      %dma_wait3A_219 = tpu.memref_squeeze %dma_wait3A_218 : memref<1x1x16384xf32, #tpu.memory_space<hbm>> -> memref<16384xf32, #tpu.memory_space<hbm>>
      tpu.wait_dma2 semaphore(%arg10 : memref<!tpu.dma_semaphore, #tpu.memory_space<semaphore_mem>>) src(%dma_wait3A_219 : memref<16384xf32, #tpu.memory_space<hbm>>) dst(%arg5 : memref<16384xf32, #tpu.memory_space<vmem>>)
      %add3A_220 = arith.constant 1 : i32
      %add3A_221 = arith.addi %mul3A_195, %add3A_220 : i32
      %add3A_222 = arith.constant 3 : i32
      %add3A_223 = arith.addi %add3A_221, %add3A_222 : i32
      %lt3A_224 = arith.constant 24 : i32
      %lt3A_225 = arith.cmpi slt, %add3A_223, %lt3A_224 : i32
      %convert_element_type3A_226 = arith.extui %lt3A_225 : i1 to i32
      %cond3A_227 = arith.constant 0 : i32
      %cond3A_228 = arith.cmpi ne, %convert_element_type3A_226, %cond3A_227 : i32
      scf.if %cond3A_228 {
        %add3A_277 = arith.constant 1 : i32
        %add3A_278 = arith.addi %mul3A_195, %add3A_277 : i32
        %add3A_279 = arith.constant 3 : i32
        %add3A_280 = arith.addi %add3A_278, %add3A_279 : i32
        %shift_right_arithmetic3A_281 = arith.constant 1 : i32
        %shift_right_arithmetic3A_282 = arith.shrsi %add3A_280, %shift_right_arithmetic3A_281 : i32
        %jit3A_283 = arith.constant 4 : i32
        %div3A_284 = arith.divsi %shift_right_arithmetic3A_282, %jit3A_283 : i32
        %sign3A_285 = arith.constant 0 : i32
        %sign3A_286 = arith.cmpi sgt, %shift_right_arithmetic3A_282, %sign3A_285 : i32
        %sign3A_287 = arith.extui %sign3A_286 : i1 to i32
        %sign3A_288 = arith.constant 0 : i32
        %sign3A_289 = arith.cmpi slt, %shift_right_arithmetic3A_282, %sign3A_288 : i32
        %sign3A_290 = arith.extui %sign3A_289 : i1 to i32
        %sign3A_291 = arith.subi %sign3A_287, %sign3A_290 : i32
        %sign3A_292 = arith.constant 0 : i32
        %sign3A_293 = arith.cmpi sgt, %jit3A_283, %sign3A_292 : i32
        %sign3A_294 = arith.extui %sign3A_293 : i1 to i32
        %sign3A_295 = arith.constant 0 : i32
        %sign3A_296 = arith.cmpi slt, %jit3A_283, %sign3A_295 : i32
        %sign3A_297 = arith.extui %sign3A_296 : i1 to i32
        %sign3A_298 = arith.subi %sign3A_294, %sign3A_297 : i32
        %ne3A_299 = arith.cmpi ne, %sign3A_291, %sign3A_298 : i32
        %rem3A_300 = arith.remsi %shift_right_arithmetic3A_282, %jit3A_283 : i32
        %ne3A_301 = arith.constant 0 : i32
        %ne3A_302 = arith.cmpi ne, %rem3A_300, %ne3A_301 : i32
        %and3A_303 = arith.andi %ne3A_299, %ne3A_302 : i1
        %sub3A_304 = arith.constant 1 : i32
        %sub3A_305 = arith.subi %div3A_284, %sub3A_304 : i32
        %select_n3A_306 = arith.select %and3A_303, %sub3A_305, %div3A_284 : i32
        %jit3A_307 = arith.constant 4 : i32
        %eq3A_308 = arith.constant 0 : i32
        %eq3A_309 = arith.cmpi eq, %jit3A_307, %eq3A_308 : i32
        %jit3A_310 = arith.constant 1 : i32
        %select_n3A_311 = arith.select %eq3A_309, %jit3A_310, %jit3A_307 : i32
        %rem3A_312 = arith.remsi %shift_right_arithmetic3A_282, %select_n3A_311 : i32
        %ne3A_313 = arith.constant 0 : i32
        %ne3A_314 = arith.cmpi ne, %rem3A_312, %ne3A_313 : i32
        %lt3A_315 = arith.constant 0 : i32
        %lt3A_316 = arith.cmpi slt, %rem3A_312, %lt3A_315 : i32
        %lt3A_317 = arith.constant 0 : i32
        %lt3A_318 = arith.cmpi slt, %select_n3A_311, %lt3A_317 : i32
        %ne3A_319 = arith.xori %lt3A_316, %lt3A_318 : i1
        %and3A_320 = arith.andi %ne3A_319, %ne3A_314 : i1
        %add3A_321 = arith.addi %rem3A_312, %select_n3A_311 : i32
        %select_n3A_322 = arith.select %and3A_320, %add3A_321, %rem3A_312 : i32
        %add3A_323 = arith.constant 1 : i32
        %add3A_324 = arith.addi %select_n3A_322, %add3A_323 : i32
        %ge3A_325 = arith.constant 2 : i32
        %ge3A_326 = arith.cmpi sge, %select_n3A_322, %ge3A_325 : i32
        %gt3A_327 = arith.constant 0 : i32
        %gt3A_328 = arith.cmpi sgt, %select_n3A_306, %gt3A_327 : i32
        %and3A_329 = arith.andi %ge3A_326, %gt3A_328 : i1
        %jit3A_330 = arith.constant 1 : i32
        %jit3A_331 = arith.constant 0 : i32
        %select_n3A_332 = arith.select %and3A_329, %jit3A_330, %jit3A_331 : i32
        %add3A_333 = arith.addi %add3A_324, %select_n3A_332 : i32
        %and3A_334 = arith.constant 1 : i32
        %and3A_335 = arith.andi %add3A_280, %and3A_334 : i32
        %mul3A_336 = arith.constant 16384 : i32
        %mul3A_337 = arith.muli %and3A_335, %mul3A_336 : i32
        %add3A_338 = arith.addi %mul3A_2, %mul3A_337 : i32
        %dma_start3A_339 = tpu.memref_slice %arg2[%select_n3A_306, %add3A_333, %add3A_338] : memref<3x6x1048576xf32, #tpu.memory_space<hbm>> -> memref<1x1x16384xf32, #tpu.memory_space<hbm>>
        %dma_start3A_340 = tpu.memref_squeeze %dma_start3A_339 : memref<1x1x16384xf32, #tpu.memory_space<hbm>> -> memref<16384xf32, #tpu.memory_space<hbm>>
        %dma_start3A_341 = tpu.memref_slice %arg2[%select_n3A_306, %add3A_333, %add3A_338] : memref<3x6x1048576xf32, #tpu.memory_space<hbm>> -> memref<1x1x16384xf32, #tpu.memory_space<hbm>>
        %dma_start3A_342 = tpu.memref_squeeze %dma_start3A_341 : memref<1x1x16384xf32, #tpu.memory_space<hbm>> -> memref<16384xf32, #tpu.memory_space<hbm>>
        tpu.enqueue_dma source(%dma_start3A_342 : memref<16384xf32, #tpu.memory_space<hbm>>) target(%arg4 : memref<16384xf32, #tpu.memory_space<vmem>>) target_semaphore(%arg9 : memref<!tpu.dma_semaphore, #tpu.memory_space<semaphore_mem>>)
      } else {
      }
      %scan3A_229 = arith.constant 0 : i32
      %scan3A_230 = arith.constant 128 : i32
      %scan3A_231 = arith.addi %scan3A_229, %scan3A_230 : i32
      %scan3A_232 = arith.constant 1 : i32
      %scan3A_233 = scf.for %scan3A_277 = %scan3A_229 to %scan3A_231 step %scan3A_232 iter_args(%scan3A_278 = %scan3A_212) -> (vector<16xi32>)  : i32 {
        %mul3A_279 = arith.constant 128 : i32
        %mul3A_280 = arith.muli %scan3A_277, %mul3A_279 : i32
        %add3A_281 = arith.constant 0 : i32
        %add3A_282 = arith.addi %mul3A_280, %add3A_281 : i32
        %get3A = arith.index_cast %add3A_282 : i32 to index
        %get3A_283 = tpu.vector_load %arg5[%get3A] {strides = array<i32>} : memref<16384xf32, #tpu.memory_space<vmem>>, vector<16xf32>,
        %get3A_284 = vector.shape_cast %get3A_283 : vector<16xf32> to vector<16xf32>
        %bitcast_convert_type3A = tpu.bitcast %get3A_284 : vector<16xf32> -> vector<16xi32>
        %and3A_285 = arith.andi %bitcast_convert_type3A, %broadcast_in_dim3A_3 : vector<16xi32>
        %max3A = arith.maxsi %scan3A_278, %and3A_285 : vector<16xi32>
        %add3A_286 = arith.constant 16 : i32
        %add3A_287 = arith.addi %mul3A_280, %add3A_286 : i32
        %get3A_288 = arith.index_cast %add3A_287 : i32 to index
        %get3A_289 = tpu.vector_load %arg5[%get3A_288] {strides = array<i32>} : memref<16384xf32, #tpu.memory_space<vmem>>, vector<16xf32>,
        %get3A_290 = vector.shape_cast %get3A_289 : vector<16xf32> to vector<16xf32>
        %bitcast_convert_type3A_291 = tpu.bitcast %get3A_290 : vector<16xf32> -> vector<16xi32>
        %and3A_292 = arith.andi %bitcast_convert_type3A_291, %broadcast_in_dim3A_3 : vector<16xi32>
        %max3A_293 = arith.maxsi %max3A, %and3A_292 : vector<16xi32>
        %add3A_294 = arith.constant 32 : i32
        %add3A_295 = arith.addi %mul3A_280, %add3A_294 : i32
        %get3A_296 = arith.index_cast %add3A_295 : i32 to index
        %get3A_297 = tpu.vector_load %arg5[%get3A_296] {strides = array<i32>} : memref<16384xf32, #tpu.memory_space<vmem>>, vector<16xf32>,
        %get3A_298 = vector.shape_cast %get3A_297 : vector<16xf32> to vector<16xf32>
        %bitcast_convert_type3A_299 = tpu.bitcast %get3A_298 : vector<16xf32> -> vector<16xi32>
        %and3A_300 = arith.andi %bitcast_convert_type3A_299, %broadcast_in_dim3A_3 : vector<16xi32>
        %max3A_301 = arith.maxsi %max3A_293, %and3A_300 : vector<16xi32>
        %add3A_302 = arith.constant 48 : i32
        %add3A_303 = arith.addi %mul3A_280, %add3A_302 : i32
        %get3A_304 = arith.index_cast %add3A_303 : i32 to index
        %get3A_305 = tpu.vector_load %arg5[%get3A_304] {strides = array<i32>} : memref<16384xf32, #tpu.memory_space<vmem>>, vector<16xf32>,
        %get3A_306 = vector.shape_cast %get3A_305 : vector<16xf32> to vector<16xf32>
        %bitcast_convert_type3A_307 = tpu.bitcast %get3A_306 : vector<16xf32> -> vector<16xi32>
        %and3A_308 = arith.andi %bitcast_convert_type3A_307, %broadcast_in_dim3A_3 : vector<16xi32>
        %max3A_309 = arith.maxsi %max3A_301, %and3A_308 : vector<16xi32>
        %add3A_310 = arith.constant 64 : i32
        %add3A_311 = arith.addi %mul3A_280, %add3A_310 : i32
        %get3A_312 = arith.index_cast %add3A_311 : i32 to index
        %get3A_313 = tpu.vector_load %arg5[%get3A_312] {strides = array<i32>} : memref<16384xf32, #tpu.memory_space<vmem>>, vector<16xf32>,
        %get3A_314 = vector.shape_cast %get3A_313 : vector<16xf32> to vector<16xf32>
        %bitcast_convert_type3A_315 = tpu.bitcast %get3A_314 : vector<16xf32> -> vector<16xi32>
        %and3A_316 = arith.andi %bitcast_convert_type3A_315, %broadcast_in_dim3A_3 : vector<16xi32>
        %max3A_317 = arith.maxsi %max3A_309, %and3A_316 : vector<16xi32>
        %add3A_318 = arith.constant 80 : i32
        %add3A_319 = arith.addi %mul3A_280, %add3A_318 : i32
        %get3A_320 = arith.index_cast %add3A_319 : i32 to index
        %get3A_321 = tpu.vector_load %arg5[%get3A_320] {strides = array<i32>} : memref<16384xf32, #tpu.memory_space<vmem>>, vector<16xf32>,
        %get3A_322 = vector.shape_cast %get3A_321 : vector<16xf32> to vector<16xf32>
        %bitcast_convert_type3A_323 = tpu.bitcast %get3A_322 : vector<16xf32> -> vector<16xi32>
        %and3A_324 = arith.andi %bitcast_convert_type3A_323, %broadcast_in_dim3A_3 : vector<16xi32>
        %max3A_325 = arith.maxsi %max3A_317, %and3A_324 : vector<16xi32>
        %add3A_326 = arith.constant 96 : i32
        %add3A_327 = arith.addi %mul3A_280, %add3A_326 : i32
        %get3A_328 = arith.index_cast %add3A_327 : i32 to index
        %get3A_329 = tpu.vector_load %arg5[%get3A_328] {strides = array<i32>} : memref<16384xf32, #tpu.memory_space<vmem>>, vector<16xf32>,
        %get3A_330 = vector.shape_cast %get3A_329 : vector<16xf32> to vector<16xf32>
        %bitcast_convert_type3A_331 = tpu.bitcast %get3A_330 : vector<16xf32> -> vector<16xi32>
        %and3A_332 = arith.andi %bitcast_convert_type3A_331, %broadcast_in_dim3A_3 : vector<16xi32>
        %max3A_333 = arith.maxsi %max3A_325, %and3A_332 : vector<16xi32>
        %add3A_334 = arith.constant 112 : i32
        %add3A_335 = arith.addi %mul3A_280, %add3A_334 : i32
        %get3A_336 = arith.index_cast %add3A_335 : i32 to index
        %get3A_337 = tpu.vector_load %arg5[%get3A_336] {strides = array<i32>} : memref<16384xf32, #tpu.memory_space<vmem>>, vector<16xf32>,
        %get3A_338 = vector.shape_cast %get3A_337 : vector<16xf32> to vector<16xf32>
        %bitcast_convert_type3A_339 = tpu.bitcast %get3A_338 : vector<16xf32> -> vector<16xi32>
        %and3A_340 = arith.andi %bitcast_convert_type3A_339, %broadcast_in_dim3A_3 : vector<16xi32>
        %max3A_341 = arith.maxsi %max3A_333, %and3A_340 : vector<16xi32>
        scf.yield %max3A_341 : vector<16xi32>
      }
      %scan3A_234 = arith.constant 128 : i32
      %dma_wait3A_235 = arith.constant 0 : i32
      %dma_wait3A_236 = arith.constant 1 : i32
      %dma_wait3A_237 = tpu.memref_slice %arg2[%dma_wait3A_235, %dma_wait3A_236, %mul3A_2] : memref<3x6x1048576xf32, #tpu.memory_space<hbm>> -> memref<1x1x16384xf32, #tpu.memory_space<hbm>>
      %dma_wait3A_238 = tpu.memref_squeeze %dma_wait3A_237 : memref<1x1x16384xf32, #tpu.memory_space<hbm>> -> memref<16384xf32, #tpu.memory_space<hbm>>
      %dma_wait3A_239 = tpu.memref_slice %arg2[%dma_wait3A_235, %dma_wait3A_236, %mul3A_2] : memref<3x6x1048576xf32, #tpu.memory_space<hbm>> -> memref<1x1x16384xf32, #tpu.memory_space<hbm>>
      %dma_wait3A_240 = tpu.memref_squeeze %dma_wait3A_239 : memref<1x1x16384xf32, #tpu.memory_space<hbm>> -> memref<16384xf32, #tpu.memory_space<hbm>>
      tpu.wait_dma2 semaphore(%arg11 : memref<!tpu.dma_semaphore, #tpu.memory_space<semaphore_mem>>) src(%dma_wait3A_240 : memref<16384xf32, #tpu.memory_space<hbm>>) dst(%arg6 : memref<16384xf32, #tpu.memory_space<vmem>>)
      %add3A_241 = arith.constant 2 : i32
      %add3A_242 = arith.addi %mul3A_195, %add3A_241 : i32
      %add3A_243 = arith.constant 3 : i32
      %add3A_244 = arith.addi %add3A_242, %add3A_243 : i32
      %lt3A_245 = arith.constant 24 : i32
      %lt3A_246 = arith.cmpi slt, %add3A_244, %lt3A_245 : i32
      %convert_element_type3A_247 = arith.extui %lt3A_246 : i1 to i32
      %cond3A_248 = arith.constant 0 : i32
      %cond3A_249 = arith.cmpi ne, %convert_element_type3A_247, %cond3A_248 : i32
      scf.if %cond3A_249 {
        %add3A_277 = arith.constant 2 : i32
        %add3A_278 = arith.addi %mul3A_195, %add3A_277 : i32
        %add3A_279 = arith.constant 3 : i32
        %add3A_280 = arith.addi %add3A_278, %add3A_279 : i32
        %shift_right_arithmetic3A_281 = arith.constant 1 : i32
        %shift_right_arithmetic3A_282 = arith.shrsi %add3A_280, %shift_right_arithmetic3A_281 : i32
        %jit3A_283 = arith.constant 4 : i32
        %div3A_284 = arith.divsi %shift_right_arithmetic3A_282, %jit3A_283 : i32
        %sign3A_285 = arith.constant 0 : i32
        %sign3A_286 = arith.cmpi sgt, %shift_right_arithmetic3A_282, %sign3A_285 : i32
        %sign3A_287 = arith.extui %sign3A_286 : i1 to i32
        %sign3A_288 = arith.constant 0 : i32
        %sign3A_289 = arith.cmpi slt, %shift_right_arithmetic3A_282, %sign3A_288 : i32
        %sign3A_290 = arith.extui %sign3A_289 : i1 to i32
        %sign3A_291 = arith.subi %sign3A_287, %sign3A_290 : i32
        %sign3A_292 = arith.constant 0 : i32
        %sign3A_293 = arith.cmpi sgt, %jit3A_283, %sign3A_292 : i32
        %sign3A_294 = arith.extui %sign3A_293 : i1 to i32
        %sign3A_295 = arith.constant 0 : i32
        %sign3A_296 = arith.cmpi slt, %jit3A_283, %sign3A_295 : i32
        %sign3A_297 = arith.extui %sign3A_296 : i1 to i32
        %sign3A_298 = arith.subi %sign3A_294, %sign3A_297 : i32
        %ne3A_299 = arith.cmpi ne, %sign3A_291, %sign3A_298 : i32
        %rem3A_300 = arith.remsi %shift_right_arithmetic3A_282, %jit3A_283 : i32
        %ne3A_301 = arith.constant 0 : i32
        %ne3A_302 = arith.cmpi ne, %rem3A_300, %ne3A_301 : i32
        %and3A_303 = arith.andi %ne3A_299, %ne3A_302 : i1
        %sub3A_304 = arith.constant 1 : i32
        %sub3A_305 = arith.subi %div3A_284, %sub3A_304 : i32
        %select_n3A_306 = arith.select %and3A_303, %sub3A_305, %div3A_284 : i32
        %jit3A_307 = arith.constant 4 : i32
        %eq3A_308 = arith.constant 0 : i32
        %eq3A_309 = arith.cmpi eq, %jit3A_307, %eq3A_308 : i32
        %jit3A_310 = arith.constant 1 : i32
        %select_n3A_311 = arith.select %eq3A_309, %jit3A_310, %jit3A_307 : i32
        %rem3A_312 = arith.remsi %shift_right_arithmetic3A_282, %select_n3A_311 : i32
        %ne3A_313 = arith.constant 0 : i32
        %ne3A_314 = arith.cmpi ne, %rem3A_312, %ne3A_313 : i32
        %lt3A_315 = arith.constant 0 : i32
        %lt3A_316 = arith.cmpi slt, %rem3A_312, %lt3A_315 : i32
        %lt3A_317 = arith.constant 0 : i32
        %lt3A_318 = arith.cmpi slt, %select_n3A_311, %lt3A_317 : i32
        %ne3A_319 = arith.xori %lt3A_316, %lt3A_318 : i1
        %and3A_320 = arith.andi %ne3A_319, %ne3A_314 : i1
        %add3A_321 = arith.addi %rem3A_312, %select_n3A_311 : i32
        %select_n3A_322 = arith.select %and3A_320, %add3A_321, %rem3A_312 : i32
        %add3A_323 = arith.constant 1 : i32
        %add3A_324 = arith.addi %select_n3A_322, %add3A_323 : i32
        %ge3A_325 = arith.constant 2 : i32
        %ge3A_326 = arith.cmpi sge, %select_n3A_322, %ge3A_325 : i32
        %gt3A_327 = arith.constant 0 : i32
        %gt3A_328 = arith.cmpi sgt, %select_n3A_306, %gt3A_327 : i32
        %and3A_329 = arith.andi %ge3A_326, %gt3A_328 : i1
        %jit3A_330 = arith.constant 1 : i32
        %jit3A_331 = arith.constant 0 : i32
        %select_n3A_332 = arith.select %and3A_329, %jit3A_330, %jit3A_331 : i32
        %add3A_333 = arith.addi %add3A_324, %select_n3A_332 : i32
        %and3A_334 = arith.constant 1 : i32
        %and3A_335 = arith.andi %add3A_280, %and3A_334 : i32
        %mul3A_336 = arith.constant 16384 : i32
        %mul3A_337 = arith.muli %and3A_335, %mul3A_336 : i32
        %add3A_338 = arith.addi %mul3A_2, %mul3A_337 : i32
        %dma_start3A_339 = tpu.memref_slice %arg2[%select_n3A_306, %add3A_333, %add3A_338] : memref<3x6x1048576xf32, #tpu.memory_space<hbm>> -> memref<1x1x16384xf32, #tpu.memory_space<hbm>>
        %dma_start3A_340 = tpu.memref_squeeze %dma_start3A_339 : memref<1x1x16384xf32, #tpu.memory_space<hbm>> -> memref<16384xf32, #tpu.memory_space<hbm>>
        %dma_start3A_341 = tpu.memref_slice %arg2[%select_n3A_306, %add3A_333, %add3A_338] : memref<3x6x1048576xf32, #tpu.memory_space<hbm>> -> memref<1x1x16384xf32, #tpu.memory_space<hbm>>
        %dma_start3A_342 = tpu.memref_squeeze %dma_start3A_341 : memref<1x1x16384xf32, #tpu.memory_space<hbm>> -> memref<16384xf32, #tpu.memory_space<hbm>>
        tpu.enqueue_dma source(%dma_start3A_342 : memref<16384xf32, #tpu.memory_space<hbm>>) target(%arg5 : memref<16384xf32, #tpu.memory_space<vmem>>) target_semaphore(%arg10 : memref<!tpu.dma_semaphore, #tpu.memory_space<semaphore_mem>>)
      } else {
      }
      %scan3A_250 = arith.constant 0 : i32
      %scan3A_251 = arith.constant 128 : i32
      %scan3A_252 = arith.addi %scan3A_250, %scan3A_251 : i32
      %scan3A_253 = arith.constant 1 : i32
      %scan3A_254 = scf.for %scan3A_277 = %scan3A_250 to %scan3A_252 step %scan3A_253 iter_args(%scan3A_278 = %scan3A_233) -> (vector<16xi32>)  : i32 {
        %mul3A_279 = arith.constant 128 : i32
        %mul3A_280 = arith.muli %scan3A_277, %mul3A_279 : i32
        %add3A_281 = arith.constant 0 : i32
        %add3A_282 = arith.addi %mul3A_280, %add3A_281 : i32
        %get3A = arith.index_cast %add3A_282 : i32 to index
        %get3A_283 = tpu.vector_load %arg6[%get3A] {strides = array<i32>} : memref<16384xf32, #tpu.memory_space<vmem>>, vector<16xf32>,
        %get3A_284 = vector.shape_cast %get3A_283 : vector<16xf32> to vector<16xf32>
        %bitcast_convert_type3A = tpu.bitcast %get3A_284 : vector<16xf32> -> vector<16xi32>
        %and3A_285 = arith.andi %bitcast_convert_type3A, %broadcast_in_dim3A_3 : vector<16xi32>
        %max3A = arith.maxsi %scan3A_278, %and3A_285 : vector<16xi32>
        %add3A_286 = arith.constant 16 : i32
        %add3A_287 = arith.addi %mul3A_280, %add3A_286 : i32
        %get3A_288 = arith.index_cast %add3A_287 : i32 to index
        %get3A_289 = tpu.vector_load %arg6[%get3A_288] {strides = array<i32>} : memref<16384xf32, #tpu.memory_space<vmem>>, vector<16xf32>,
        %get3A_290 = vector.shape_cast %get3A_289 : vector<16xf32> to vector<16xf32>
        %bitcast_convert_type3A_291 = tpu.bitcast %get3A_290 : vector<16xf32> -> vector<16xi32>
        %and3A_292 = arith.andi %bitcast_convert_type3A_291, %broadcast_in_dim3A_3 : vector<16xi32>
        %max3A_293 = arith.maxsi %max3A, %and3A_292 : vector<16xi32>
        %add3A_294 = arith.constant 32 : i32
        %add3A_295 = arith.addi %mul3A_280, %add3A_294 : i32
        %get3A_296 = arith.index_cast %add3A_295 : i32 to index
        %get3A_297 = tpu.vector_load %arg6[%get3A_296] {strides = array<i32>} : memref<16384xf32, #tpu.memory_space<vmem>>, vector<16xf32>,
        %get3A_298 = vector.shape_cast %get3A_297 : vector<16xf32> to vector<16xf32>
        %bitcast_convert_type3A_299 = tpu.bitcast %get3A_298 : vector<16xf32> -> vector<16xi32>
        %and3A_300 = arith.andi %bitcast_convert_type3A_299, %broadcast_in_dim3A_3 : vector<16xi32>
        %max3A_301 = arith.maxsi %max3A_293, %and3A_300 : vector<16xi32>
        %add3A_302 = arith.constant 48 : i32
        %add3A_303 = arith.addi %mul3A_280, %add3A_302 : i32
        %get3A_304 = arith.index_cast %add3A_303 : i32 to index
        %get3A_305 = tpu.vector_load %arg6[%get3A_304] {strides = array<i32>} : memref<16384xf32, #tpu.memory_space<vmem>>, vector<16xf32>,
        %get3A_306 = vector.shape_cast %get3A_305 : vector<16xf32> to vector<16xf32>
        %bitcast_convert_type3A_307 = tpu.bitcast %get3A_306 : vector<16xf32> -> vector<16xi32>
        %and3A_308 = arith.andi %bitcast_convert_type3A_307, %broadcast_in_dim3A_3 : vector<16xi32>
        %max3A_309 = arith.maxsi %max3A_301, %and3A_308 : vector<16xi32>
        %add3A_310 = arith.constant 64 : i32
        %add3A_311 = arith.addi %mul3A_280, %add3A_310 : i32
        %get3A_312 = arith.index_cast %add3A_311 : i32 to index
        %get3A_313 = tpu.vector_load %arg6[%get3A_312] {strides = array<i32>} : memref<16384xf32, #tpu.memory_space<vmem>>, vector<16xf32>,
        %get3A_314 = vector.shape_cast %get3A_313 : vector<16xf32> to vector<16xf32>
        %bitcast_convert_type3A_315 = tpu.bitcast %get3A_314 : vector<16xf32> -> vector<16xi32>
        %and3A_316 = arith.andi %bitcast_convert_type3A_315, %broadcast_in_dim3A_3 : vector<16xi32>
        %max3A_317 = arith.maxsi %max3A_309, %and3A_316 : vector<16xi32>
        %add3A_318 = arith.constant 80 : i32
        %add3A_319 = arith.addi %mul3A_280, %add3A_318 : i32
        %get3A_320 = arith.index_cast %add3A_319 : i32 to index
        %get3A_321 = tpu.vector_load %arg6[%get3A_320] {strides = array<i32>} : memref<16384xf32, #tpu.memory_space<vmem>>, vector<16xf32>,
        %get3A_322 = vector.shape_cast %get3A_321 : vector<16xf32> to vector<16xf32>
        %bitcast_convert_type3A_323 = tpu.bitcast %get3A_322 : vector<16xf32> -> vector<16xi32>
        %and3A_324 = arith.andi %bitcast_convert_type3A_323, %broadcast_in_dim3A_3 : vector<16xi32>
        %max3A_325 = arith.maxsi %max3A_317, %and3A_324 : vector<16xi32>
        %add3A_326 = arith.constant 96 : i32
        %add3A_327 = arith.addi %mul3A_280, %add3A_326 : i32
        %get3A_328 = arith.index_cast %add3A_327 : i32 to index
        %get3A_329 = tpu.vector_load %arg6[%get3A_328] {strides = array<i32>} : memref<16384xf32, #tpu.memory_space<vmem>>, vector<16xf32>,
        %get3A_330 = vector.shape_cast %get3A_329 : vector<16xf32> to vector<16xf32>
        %bitcast_convert_type3A_331 = tpu.bitcast %get3A_330 : vector<16xf32> -> vector<16xi32>
        %and3A_332 = arith.andi %bitcast_convert_type3A_331, %broadcast_in_dim3A_3 : vector<16xi32>
        %max3A_333 = arith.maxsi %max3A_325, %and3A_332 : vector<16xi32>
        %add3A_334 = arith.constant 112 : i32
        %add3A_335 = arith.addi %mul3A_280, %add3A_334 : i32
        %get3A_336 = arith.index_cast %add3A_335 : i32 to index
        %get3A_337 = tpu.vector_load %arg6[%get3A_336] {strides = array<i32>} : memref<16384xf32, #tpu.memory_space<vmem>>, vector<16xf32>,
        %get3A_338 = vector.shape_cast %get3A_337 : vector<16xf32> to vector<16xf32>
        %bitcast_convert_type3A_339 = tpu.bitcast %get3A_338 : vector<16xf32> -> vector<16xi32>
        %and3A_340 = arith.andi %bitcast_convert_type3A_339, %broadcast_in_dim3A_3 : vector<16xi32>
        %max3A_341 = arith.maxsi %max3A_333, %and3A_340 : vector<16xi32>
        scf.yield %max3A_341 : vector<16xi32>
      }
      %scan3A_255 = arith.constant 128 : i32
      %dma_wait3A_256 = arith.constant 0 : i32
      %dma_wait3A_257 = arith.constant 1 : i32
      %dma_wait3A_258 = tpu.memref_slice %arg2[%dma_wait3A_256, %dma_wait3A_257, %mul3A_2] : memref<3x6x1048576xf32, #tpu.memory_space<hbm>> -> memref<1x1x16384xf32, #tpu.memory_space<hbm>>
      %dma_wait3A_259 = tpu.memref_squeeze %dma_wait3A_258 : memref<1x1x16384xf32, #tpu.memory_space<hbm>> -> memref<16384xf32, #tpu.memory_space<hbm>>
      %dma_wait3A_260 = tpu.memref_slice %arg2[%dma_wait3A_256, %dma_wait3A_257, %mul3A_2] : memref<3x6x1048576xf32, #tpu.memory_space<hbm>> -> memref<1x1x16384xf32, #tpu.memory_space<hbm>>
      %dma_wait3A_261 = tpu.memref_squeeze %dma_wait3A_260 : memref<1x1x16384xf32, #tpu.memory_space<hbm>> -> memref<16384xf32, #tpu.memory_space<hbm>>
      tpu.wait_dma2 semaphore(%arg12 : memref<!tpu.dma_semaphore, #tpu.memory_space<semaphore_mem>>) src(%dma_wait3A_261 : memref<16384xf32, #tpu.memory_space<hbm>>) dst(%arg7 : memref<16384xf32, #tpu.memory_space<vmem>>)
      %add3A_262 = arith.constant 3 : i32
      %add3A_263 = arith.addi %mul3A_195, %add3A_262 : i32
      %add3A_264 = arith.constant 3 : i32
      %add3A_265 = arith.addi %add3A_263, %add3A_264 : i32
      %lt3A_266 = arith.constant 24 : i32
      %lt3A_267 = arith.cmpi slt, %add3A_265, %lt3A_266 : i32
      %convert_element_type3A_268 = arith.extui %lt3A_267 : i1 to i32
      %cond3A_269 = arith.constant 0 : i32
      %cond3A_270 = arith.cmpi ne, %convert_element_type3A_268, %cond3A_269 : i32
      scf.if %cond3A_270 {
        %add3A_277 = arith.constant 3 : i32
        %add3A_278 = arith.addi %mul3A_195, %add3A_277 : i32
        %add3A_279 = arith.constant 3 : i32
        %add3A_280 = arith.addi %add3A_278, %add3A_279 : i32
        %shift_right_arithmetic3A_281 = arith.constant 1 : i32
        %shift_right_arithmetic3A_282 = arith.shrsi %add3A_280, %shift_right_arithmetic3A_281 : i32
        %jit3A_283 = arith.constant 4 : i32
        %div3A_284 = arith.divsi %shift_right_arithmetic3A_282, %jit3A_283 : i32
        %sign3A_285 = arith.constant 0 : i32
        %sign3A_286 = arith.cmpi sgt, %shift_right_arithmetic3A_282, %sign3A_285 : i32
        %sign3A_287 = arith.extui %sign3A_286 : i1 to i32
        %sign3A_288 = arith.constant 0 : i32
        %sign3A_289 = arith.cmpi slt, %shift_right_arithmetic3A_282, %sign3A_288 : i32
        %sign3A_290 = arith.extui %sign3A_289 : i1 to i32
        %sign3A_291 = arith.subi %sign3A_287, %sign3A_290 : i32
        %sign3A_292 = arith.constant 0 : i32
        %sign3A_293 = arith.cmpi sgt, %jit3A_283, %sign3A_292 : i32
        %sign3A_294 = arith.extui %sign3A_293 : i1 to i32
        %sign3A_295 = arith.constant 0 : i32
        %sign3A_296 = arith.cmpi slt, %jit3A_283, %sign3A_295 : i32
        %sign3A_297 = arith.extui %sign3A_296 : i1 to i32
        %sign3A_298 = arith.subi %sign3A_294, %sign3A_297 : i32
        %ne3A_299 = arith.cmpi ne, %sign3A_291, %sign3A_298 : i32
        %rem3A_300 = arith.remsi %shift_right_arithmetic3A_282, %jit3A_283 : i32
        %ne3A_301 = arith.constant 0 : i32
        %ne3A_302 = arith.cmpi ne, %rem3A_300, %ne3A_301 : i32
        %and3A_303 = arith.andi %ne3A_299, %ne3A_302 : i1
        %sub3A_304 = arith.constant 1 : i32
        %sub3A_305 = arith.subi %div3A_284, %sub3A_304 : i32
        %select_n3A_306 = arith.select %and3A_303, %sub3A_305, %div3A_284 : i32
        %jit3A_307 = arith.constant 4 : i32
        %eq3A_308 = arith.constant 0 : i32
        %eq3A_309 = arith.cmpi eq, %jit3A_307, %eq3A_308 : i32
        %jit3A_310 = arith.constant 1 : i32
        %select_n3A_311 = arith.select %eq3A_309, %jit3A_310, %jit3A_307 : i32
        %rem3A_312 = arith.remsi %shift_right_arithmetic3A_282, %select_n3A_311 : i32
        %ne3A_313 = arith.constant 0 : i32
        %ne3A_314 = arith.cmpi ne, %rem3A_312, %ne3A_313 : i32
        %lt3A_315 = arith.constant 0 : i32
        %lt3A_316 = arith.cmpi slt, %rem3A_312, %lt3A_315 : i32
        %lt3A_317 = arith.constant 0 : i32
        %lt3A_318 = arith.cmpi slt, %select_n3A_311, %lt3A_317 : i32
        %ne3A_319 = arith.xori %lt3A_316, %lt3A_318 : i1
        %and3A_320 = arith.andi %ne3A_319, %ne3A_314 : i1
        %add3A_321 = arith.addi %rem3A_312, %select_n3A_311 : i32
        %select_n3A_322 = arith.select %and3A_320, %add3A_321, %rem3A_312 : i32
        %add3A_323 = arith.constant 1 : i32
        %add3A_324 = arith.addi %select_n3A_322, %add3A_323 : i32
        %ge3A_325 = arith.constant 2 : i32
        %ge3A_326 = arith.cmpi sge, %select_n3A_322, %ge3A_325 : i32
        %gt3A_327 = arith.constant 0 : i32
        %gt3A_328 = arith.cmpi sgt, %select_n3A_306, %gt3A_327 : i32
        %and3A_329 = arith.andi %ge3A_326, %gt3A_328 : i1
        %jit3A_330 = arith.constant 1 : i32
        %jit3A_331 = arith.constant 0 : i32
        %select_n3A_332 = arith.select %and3A_329, %jit3A_330, %jit3A_331 : i32
        %add3A_333 = arith.addi %add3A_324, %select_n3A_332 : i32
        %and3A_334 = arith.constant 1 : i32
        %and3A_335 = arith.andi %add3A_280, %and3A_334 : i32
        %mul3A_336 = arith.constant 16384 : i32
        %mul3A_337 = arith.muli %and3A_335, %mul3A_336 : i32
        %add3A_338 = arith.addi %mul3A_2, %mul3A_337 : i32
        %dma_start3A_339 = tpu.memref_slice %arg2[%select_n3A_306, %add3A_333, %add3A_338] : memref<3x6x1048576xf32, #tpu.memory_space<hbm>> -> memref<1x1x16384xf32, #tpu.memory_space<hbm>>
        %dma_start3A_340 = tpu.memref_squeeze %dma_start3A_339 : memref<1x1x16384xf32, #tpu.memory_space<hbm>> -> memref<16384xf32, #tpu.memory_space<hbm>>
        %dma_start3A_341 = tpu.memref_slice %arg2[%select_n3A_306, %add3A_333, %add3A_338] : memref<3x6x1048576xf32, #tpu.memory_space<hbm>> -> memref<1x1x16384xf32, #tpu.memory_space<hbm>>
        %dma_start3A_342 = tpu.memref_squeeze %dma_start3A_341 : memref<1x1x16384xf32, #tpu.memory_space<hbm>> -> memref<16384xf32, #tpu.memory_space<hbm>>
        tpu.enqueue_dma source(%dma_start3A_342 : memref<16384xf32, #tpu.memory_space<hbm>>) target(%arg6 : memref<16384xf32, #tpu.memory_space<vmem>>) target_semaphore(%arg11 : memref<!tpu.dma_semaphore, #tpu.memory_space<semaphore_mem>>)
      } else {
      }
      %scan3A_271 = arith.constant 0 : i32
      %scan3A_272 = arith.constant 128 : i32
      %scan3A_273 = arith.addi %scan3A_271, %scan3A_272 : i32
      %scan3A_274 = arith.constant 1 : i32
      %scan3A_275 = scf.for %scan3A_277 = %scan3A_271 to %scan3A_273 step %scan3A_274 iter_args(%scan3A_278 = %scan3A_254) -> (vector<16xi32>)  : i32 {
        %mul3A_279 = arith.constant 128 : i32
        %mul3A_280 = arith.muli %scan3A_277, %mul3A_279 : i32
        %add3A_281 = arith.constant 0 : i32
        %add3A_282 = arith.addi %mul3A_280, %add3A_281 : i32
        %get3A = arith.index_cast %add3A_282 : i32 to index
        %get3A_283 = tpu.vector_load %arg7[%get3A] {strides = array<i32>} : memref<16384xf32, #tpu.memory_space<vmem>>, vector<16xf32>,
        %get3A_284 = vector.shape_cast %get3A_283 : vector<16xf32> to vector<16xf32>
        %bitcast_convert_type3A = tpu.bitcast %get3A_284 : vector<16xf32> -> vector<16xi32>
        %and3A_285 = arith.andi %bitcast_convert_type3A, %broadcast_in_dim3A_3 : vector<16xi32>
        %max3A = arith.maxsi %scan3A_278, %and3A_285 : vector<16xi32>
        %add3A_286 = arith.constant 16 : i32
        %add3A_287 = arith.addi %mul3A_280, %add3A_286 : i32
        %get3A_288 = arith.index_cast %add3A_287 : i32 to index
        %get3A_289 = tpu.vector_load %arg7[%get3A_288] {strides = array<i32>} : memref<16384xf32, #tpu.memory_space<vmem>>, vector<16xf32>,
        %get3A_290 = vector.shape_cast %get3A_289 : vector<16xf32> to vector<16xf32>
        %bitcast_convert_type3A_291 = tpu.bitcast %get3A_290 : vector<16xf32> -> vector<16xi32>
        %and3A_292 = arith.andi %bitcast_convert_type3A_291, %broadcast_in_dim3A_3 : vector<16xi32>
        %max3A_293 = arith.maxsi %max3A, %and3A_292 : vector<16xi32>
        %add3A_294 = arith.constant 32 : i32
        %add3A_295 = arith.addi %mul3A_280, %add3A_294 : i32
        %get3A_296 = arith.index_cast %add3A_295 : i32 to index
        %get3A_297 = tpu.vector_load %arg7[%get3A_296] {strides = array<i32>} : memref<16384xf32, #tpu.memory_space<vmem>>, vector<16xf32>,
        %get3A_298 = vector.shape_cast %get3A_297 : vector<16xf32> to vector<16xf32>
        %bitcast_convert_type3A_299 = tpu.bitcast %get3A_298 : vector<16xf32> -> vector<16xi32>
        %and3A_300 = arith.andi %bitcast_convert_type3A_299, %broadcast_in_dim3A_3 : vector<16xi32>
        %max3A_301 = arith.maxsi %max3A_293, %and3A_300 : vector<16xi32>
        %add3A_302 = arith.constant 48 : i32
        %add3A_303 = arith.addi %mul3A_280, %add3A_302 : i32
        %get3A_304 = arith.index_cast %add3A_303 : i32 to index
        %get3A_305 = tpu.vector_load %arg7[%get3A_304] {strides = array<i32>} : memref<16384xf32, #tpu.memory_space<vmem>>, vector<16xf32>,
        %get3A_306 = vector.shape_cast %get3A_305 : vector<16xf32> to vector<16xf32>
        %bitcast_convert_type3A_307 = tpu.bitcast %get3A_306 : vector<16xf32> -> vector<16xi32>
        %and3A_308 = arith.andi %bitcast_convert_type3A_307, %broadcast_in_dim3A_3 : vector<16xi32>
        %max3A_309 = arith.maxsi %max3A_301, %and3A_308 : vector<16xi32>
        %add3A_310 = arith.constant 64 : i32
        %add3A_311 = arith.addi %mul3A_280, %add3A_310 : i32
        %get3A_312 = arith.index_cast %add3A_311 : i32 to index
        %get3A_313 = tpu.vector_load %arg7[%get3A_312] {strides = array<i32>} : memref<16384xf32, #tpu.memory_space<vmem>>, vector<16xf32>,
        %get3A_314 = vector.shape_cast %get3A_313 : vector<16xf32> to vector<16xf32>
        %bitcast_convert_type3A_315 = tpu.bitcast %get3A_314 : vector<16xf32> -> vector<16xi32>
        %and3A_316 = arith.andi %bitcast_convert_type3A_315, %broadcast_in_dim3A_3 : vector<16xi32>
        %max3A_317 = arith.maxsi %max3A_309, %and3A_316 : vector<16xi32>
        %add3A_318 = arith.constant 80 : i32
        %add3A_319 = arith.addi %mul3A_280, %add3A_318 : i32
        %get3A_320 = arith.index_cast %add3A_319 : i32 to index
        %get3A_321 = tpu.vector_load %arg7[%get3A_320] {strides = array<i32>} : memref<16384xf32, #tpu.memory_space<vmem>>, vector<16xf32>,
        %get3A_322 = vector.shape_cast %get3A_321 : vector<16xf32> to vector<16xf32>
        %bitcast_convert_type3A_323 = tpu.bitcast %get3A_322 : vector<16xf32> -> vector<16xi32>
        %and3A_324 = arith.andi %bitcast_convert_type3A_323, %broadcast_in_dim3A_3 : vector<16xi32>
        %max3A_325 = arith.maxsi %max3A_317, %and3A_324 : vector<16xi32>
        %add3A_326 = arith.constant 96 : i32
        %add3A_327 = arith.addi %mul3A_280, %add3A_326 : i32
        %get3A_328 = arith.index_cast %add3A_327 : i32 to index
        %get3A_329 = tpu.vector_load %arg7[%get3A_328] {strides = array<i32>} : memref<16384xf32, #tpu.memory_space<vmem>>, vector<16xf32>,
        %get3A_330 = vector.shape_cast %get3A_329 : vector<16xf32> to vector<16xf32>
        %bitcast_convert_type3A_331 = tpu.bitcast %get3A_330 : vector<16xf32> -> vector<16xi32>
        %and3A_332 = arith.andi %bitcast_convert_type3A_331, %broadcast_in_dim3A_3 : vector<16xi32>
        %max3A_333 = arith.maxsi %max3A_325, %and3A_332 : vector<16xi32>
        %add3A_334 = arith.constant 112 : i32
        %add3A_335 = arith.addi %mul3A_280, %add3A_334 : i32
        %get3A_336 = arith.index_cast %add3A_335 : i32 to index
        %get3A_337 = tpu.vector_load %arg7[%get3A_336] {strides = array<i32>} : memref<16384xf32, #tpu.memory_space<vmem>>, vector<16xf32>,
        %get3A_338 = vector.shape_cast %get3A_337 : vector<16xf32> to vector<16xf32>
        %bitcast_convert_type3A_339 = tpu.bitcast %get3A_338 : vector<16xf32> -> vector<16xi32>
        %and3A_340 = arith.andi %bitcast_convert_type3A_339, %broadcast_in_dim3A_3 : vector<16xi32>
        %max3A_341 = arith.maxsi %max3A_333, %and3A_340 : vector<16xi32>
        scf.yield %max3A_341 : vector<16xi32>
      }
      %scan3A_276 = arith.constant 128 : i32
      scf.yield %scan3A_275 : vector<16xi32>
    }
    %scan3A_188 = arith.constant 6 : i32
    %swap3A = arith.constant 0 : index
    %swap3A_189 = tpu.vector_load %arg8[%swap3A] {strides = array<i32>} : memref<16xi32, #tpu.memory_space<vmem>>, vector<16xi32>,
    %swap3A_190 = vector.shape_cast %swap3A_189 : vector<16xi32> to vector<16xi32>
    %swap3A_191 = vector.shape_cast %scan3A_187 : vector<16xi32> to vector<16xi32>
    tpu.vector_store %arg8[%swap3A], %swap3A_191 {strides = array<i32>} : memref<16xi32, #tpu.memory_space<vmem>>, vector<16xi32>,
    "tpu.region"() ({
      %run_scoped3A = tpu.sem_alloc : memref<!tpu.dma_semaphore, #tpu.memory_space<semaphore_mem>>
      %dma_start3A_192 = arith.constant 0 : i32
      %dma_start3A_193 = tpu.memref_slice %arg3[%add3A, %dma_start3A_192] : memref<32x16xi32, #tpu.memory_space<hbm>> -> memref<1x16xi32, #tpu.memory_space<hbm>>
      %dma_start3A_194 = tpu.memref_squeeze %dma_start3A_193 : memref<1x16xi32, #tpu.memory_space<hbm>> -> memref<16xi32, #tpu.memory_space<hbm>>
      %dma_start3A_195 = arith.constant 0 : i32
      %dma_start3A_196 = tpu.memref_slice %arg3[%add3A, %dma_start3A_195] : memref<32x16xi32, #tpu.memory_space<hbm>> -> memref<1x16xi32, #tpu.memory_space<hbm>>
      %dma_start3A_197 = tpu.memref_squeeze %dma_start3A_196 : memref<1x16xi32, #tpu.memory_space<hbm>> -> memref<16xi32, #tpu.memory_space<hbm>>
      tpu.enqueue_dma source(%arg8 : memref<16xi32, #tpu.memory_space<vmem>>) target(%dma_start3A_197 : memref<16xi32, #tpu.memory_space<hbm>>) target_semaphore(%run_scoped3A : memref<!tpu.dma_semaphore, #tpu.memory_space<semaphore_mem>>)
      %dma_wait3A = arith.constant 0 : i32
      %dma_wait3A_198 = tpu.memref_slice %arg3[%add3A, %dma_wait3A] : memref<32x16xi32, #tpu.memory_space<hbm>> -> memref<1x16xi32, #tpu.memory_space<hbm>>
      %dma_wait3A_199 = tpu.memref_squeeze %dma_wait3A_198 : memref<1x16xi32, #tpu.memory_space<hbm>> -> memref<16xi32, #tpu.memory_space<hbm>>
      %dma_wait3A_200 = arith.constant 0 : i32
      %dma_wait3A_201 = tpu.memref_slice %arg3[%add3A, %dma_wait3A_200] : memref<32x16xi32, #tpu.memory_space<hbm>> -> memref<1x16xi32, #tpu.memory_space<hbm>>
      %dma_wait3A_202 = tpu.memref_squeeze %dma_wait3A_201 : memref<1x16xi32, #tpu.memory_space<hbm>> -> memref<16xi32, #tpu.memory_space<hbm>>
      tpu.wait_dma2 semaphore(%run_scoped3A : memref<!tpu.dma_semaphore, #tpu.memory_space<semaphore_mem>>) src(%arg8 : memref<16xi32, #tpu.memory_space<vmem>>) dst(%dma_wait3A_202 : memref<16xi32, #tpu.memory_space<hbm>>)
      tpu.yield
    }) : () -> ()
    return
  }
}

</mosaic_0001>

<sc_bundles>
// kernel: kernel.3.cloned.1.call-start
scs
__scs_entry_jumppad:
0x0: {  	(pc) =	sbr.rel $0x88, $3  }
0x1: {  	(tag) =	ssettag $0x0;
	lr =	simm.s32 $0x1  }
0x2: {  	[smem:$0x3FA0] =	sst lr;
	_ =	strace $0xD0000000  }
0x3: {  	_ = 	snop  }
0x4: {  	_ = 	snop  }
0x5: {  	_ = 	snop  }
0x6: {  	_ = 	snop  }
0x7: {  	_ = 	snop  }
__scs_overlays_trampoline_lowered:
0x8: {  	[smem:$0x3FAF] =	sst s0  }
0x9: {  	[smem:$0x3FB0] =	sst s1  }
0xa: {  	[smem:$0x3FB1] =	sst s2  }
0xb: {  	[smem:$0x3FB2] =	sst s3  }
0xc: {  	[smem:$0x3FB3] =	sst s4  }
0xd: {  	[smem:$0x3FB4] =	sst s5  }
0xe: {  	[smem:$0x3FB5] =	sst s6  }
0xf: {  	[smem:$0x3FB6] =	sst s7  }
0x10: {  	[smem:$0x3FB7] =	sst s8  }
0x11: {  	[smem:$0x3FB8] =	sst s9;
	s0 =	simm.s32 @!p0 $0x0  }
0x12: {  	s1 =	sld [smem:$0x3F9E];
	s0 =	simm.s32 @p0 $0x1  }
0x13: {  	[smem:$0x3FB9] =	sst s0;
	s0 =	simm.s32 @!p1 $0x0  }
0x14: {  	s2 =	sld [smem:$0x3F9D];
	s0 =	simm.s32 @p1 $0x1  }
0x15: {  	[smem:$0x3FBA] =	sst s0;
	s0 =	simm.s32 @!p2 $0x0  }
0x16: {  	s3 =	sld [smem:$0x3FDB];
	s0 =	simm.s32 @p2 $0x1  }
0x17: {  	s4 =	simm.s32 $0x1BF5;
	[smem:$0x3FBC] =	sst s0  }
0x18: {  	s0 =	sld [smem:$0x3F9F];
	_ =	swait.ge [sflag:s4], $0x0  }
0x19: {  	s7 =	sld [smem:$0x3FA0]  }
0x1a: {  	s8 =	sadd.s32 $0xFFFFE003, lr  }
0x1b: {  	s9 =	sadd.s32 $0xFFFFFEF7, lr;
	s5 =	simm.s32 $0xFFFFFFFF;
	p2 =	slt.u32 s8, $0xFFFFF086  }
0x1c: {  	p1 =	slt.u32 s9, $0xF7A;
	s5 =	simm.s32 @!p2 $0x0  }
0x1d: {  	s5 =	simm.s32 @p1 $0x1;
	p0 =	seq.s32 s7, s2  }
0x1e: {  	s7 =	smul.u32 @!p0 $0xF7A, s2;
	p2 =	seq.s32 @!p0 s5, $0x0  }
0x1f: {  	s9 =	smul.u32 $0xF7A, s1;
	s8 =	simm.s32 @!p0 $0x1BF5;
	p2 =	por !p2, p0  }
0x20: {  	[sflag:s8] =	ssyncset.s32 @!p0 $0xFFFFF086;
	s6 =	sadd.s32 @!p0 s3, s7;
	s7 =	simm.s32 @!p0 $0x108  }
0x21: {  	s3 =	sadd.s32 s3, s9;
	s6 =	sadd.s32 @!p0 $0x88, s6;
	s7 =	simm.s32 @p2 $0x1082  }
0x22: {  	[simem:s7], [sflag:s8] =	dma.local @!p0 [hbm:s6], $0xF7A  }
0x23: {  	s9 =	sor.u32 $0xD0000000, s2;
	s6 =	simm.s32 $0x108;
	_ =	swait.ge @!p0 [sflag:s8], $0x0  }
0x24: {  	s3 =	sadd.s32 $0x88, s3;
	s6 =	simm.s32 @!p1 $0x1082;
	[sflag:s4] =	ssyncset.s32 $0xFFFFF086  }
0x25: {  	[simem:s6], [sflag:s4] =	dma.local [hbm:s3], $0xF7A  }
0x26: {  	[smem:$0x3FA0] =	sst s1;
	(tag) =	ssettag s2;
	_ =	strace s9  }
0x27: {  	s1 =	sld [smem:$0x3FB0]  }
0x28: {  	s2 =	sld [smem:$0x3FB1]  }
0x29: {  	s4 =	sld [smem:$0x3FB3]  }
0x2a: {  	p0 =	seq.s32 s5, $0x0;
	s5 =	sld [smem:$0x3FB4]  }
0x2b: {  	s6 =	sld [smem:$0x3FB5]  }
0x2c: {  	s7 =	sld [smem:$0x3FB6]  }
0x2d: {  	s3 =	simm.s32 $0x108;
	s8 =	sld [smem:$0x3FB7]  }
0x2e: {  	s3 =	simm.s32 @!p0 $0x1082;
	s9 =	sld [smem:$0x3FB8]  }
0x2f: {  	lr =	sadd.s32 s0, s3;
	s0 =	sld [smem:$0x3FAF]  }
0x30: {  	s3 =	sld [smem:$0x3FB2]  }
0x31: {  	[smem:$0x3FBB] =	sst s10  }
0x32: {  	s10 =	sld [smem:$0x3FB9];
	_ =	sdelay $0x3  }
0x33: {  	p0 =	seq.s32 s10, $0x1;
	s10 =	sld [smem:$0x3FBB];
	_ =	sdelay $0x3  }
0x34: {  	[smem:$0x3FBB] =	sst s10  }
0x35: {  	s10 =	sld [smem:$0x3FBA];
	_ =	sdelay $0x3  }
0x36: {  	p1 =	seq.s32 s10, $0x1;
	s10 =	sld [smem:$0x3FBB];
	_ =	sdelay $0x3  }
0x37: {  	[smem:$0x3FBB] =	sst s10  }
0x38: {  	s10 =	sld [smem:$0x3FBC]  }
0x39: {  	_ = 	snop;
	(pc) =	sbr.ind lr, $3  }
0x3a: {  	_ = 	snop  }
0x3b: {  	_ = 	snop  }
0x3c: {  	p2 =	seq.s32 s10, $0x1;
	s10 =	sld [smem:$0x3FBB]  }
0x3d: {  	_ =	shalt  }
0x3e: {  	_ =	shalt  }
0x3f: {  	_ =	shalt  }
0x40: {  	_ =	shalt  }
0x41: {  	_ =	shalt  }
0x42: {  	_ =	shalt  }
0x43: {  	_ =	shalt  }
0x44: {  	_ =	shalt  }
0x45: {  	_ =	shalt  }
0x46: {  	_ =	shalt  }
0x47: {  	_ =	shalt  }
0x48: {  	_ =	shalt  }
0x49: {  	_ =	shalt  }
0x4a: {  	_ =	shalt  }
0x4b: {  	_ =	shalt  }
0x4c: {  	_ =	shalt  }
0x4d: {  	_ =	shalt  }
0x4e: {  	_ =	shalt  }
0x4f: {  	_ =	shalt  }
0x50: {  	_ =	shalt  }
0x51: {  	_ =	shalt  }
0x52: {  	_ =	shalt  }
0x53: {  	_ =	shalt  }
0x54: {  	_ =	shalt  }
0x55: {  	_ =	shalt  }
0x56: {  	_ =	shalt  }
0x57: {  	_ =	shalt  }
0x58: {  	_ =	shalt  }
0x59: {  	_ =	shalt  }
0x5a: {  	_ =	shalt  }
0x5b: {  	_ =	shalt  }
0x5c: {  	_ =	shalt  }
0x5d: {  	_ =	shalt  }
0x5e: {  	_ =	shalt  }
0x5f: {  	_ =	shalt  }
0x60: {  	_ =	shalt  }
0x61: {  	_ =	shalt  }
0x62: {  	_ =	shalt  }
0x63: {  	_ =	shalt  }
0x64: {  	_ =	shalt  }
0x65: {  	_ =	shalt  }
0x66: {  	_ =	shalt  }
0x67: {  	_ =	shalt  }
0x68: {  	_ =	shalt  }
0x69: {  	_ =	shalt  }
0x6a: {  	_ =	shalt  }
0x6b: {  	_ =	shalt  }
0x6c: {  	_ =	shalt  }
0x6d: {  	_ =	shalt  }
0x6e: {  	_ =	shalt  }
0x6f: {  	_ =	shalt  }
0x70: {  	_ =	shalt  }
0x71: {  	_ =	shalt  }
0x72: {  	_ =	shalt  }
0x73: {  	_ =	shalt  }
0x74: {  	_ =	shalt  }
0x75: {  	_ =	shalt  }
0x76: {  	_ =	shalt  }
0x77: {  	_ =	shalt  }
0x78: {  	_ =	shalt  }
0x79: {  	_ =	shalt  }
0x7a: {  	_ =	shalt  }
0x7b: {  	_ =	shalt  }
0x7c: {  	_ =	shalt  }
0x7d: {  	_ =	shalt  }
0x7e: {  	_ =	shalt  }
0x7f: {  	_ =	shalt  }
0x80: {  	_ =	shalt  }
0x81: {  	_ =	shalt  }
0x82: {  	_ =	shalt  }
0x83: {  	_ =	shalt  }
0x84: {  	_ =	shalt  }
0x85: {  	_ =	shalt  }
0x86: {  	_ =	shalt  }
0x87: {  	_ =	shalt  }
.Lfunc_end0:
.L_simem_size_0:
called_computation_lowered:
.L_overlay_start_0:
0x88: {  	s2 =	sld [smem:$0x3FD9]  }
0x89: {  	s3 =	sld [smem:$0x3FFE];
	_ =	sdelay $0x1  }
0x8a: {  	s1 =	srdreg.scid  }
0x8b: {  	s0 =	sand.u32 $0x1, s1  }
0x8c: {  	s17 =	sshll.u32 s0, $0xA;
	s2 =	sadd.s32 s3, s2  }
0x8d: {  	s2 =	sadd.s32 s2, s17  }
0x8e: {  	[smem:$0x3FC7] =	sst s2  }
0x8f: {  	_ = 	snop  }
0x90: {  	s2 =	sld [smem:$0x3FC9];
	(tm) =	ssettm $0x1  }
0x91: {  	s18 =	sld [smem:$0x3FFB];
	_ =	sdelay $0x3  }
0x92: {  	_ =	strace s18  }
0x93: {  	s3 =	sld [smem:$0x3FFC];
	_ =	sdelay $0x3  }
0x94: {  	_ =	strace s3  }
0x95: {  	s3 =	sld [smem:$0x3FFD];
	_ =	sdelay $0x3  }
0x96: {  	_ =	strace s3  }
0x97: {  	_ =	strace $0x8FFFFFFF  }
0x98: {  	s19 =	sld [smem:$0x3FDB];
	_ =	sdelay $0x1  }
0x99: {  	s4 =	simm.s32 $_scs_section_size  }
0x9a: {  	s5 =	simm.s32 $_size__tile_overlayer_lowered;
	s6 =	simm.s32 $_tile_overlayer_lowered  }
0x9b: {  	s22 =	simm.s32 $0x1BFF;
	s21 =	sshll.u32 s6, $0x1;
	s3 =	sadd.s32 s4, s19  }
0x9c: {  	s7 =	simm.s32 $0x0;
	s20 =	sshll.u32 s5, $0x1;
	s5 =	sadd.s32 s21, s3  }
0x9d: {  	[timem:s7], [sflag:s22] =	dma.local [hbm:s5], s20  }
0x9e: {  	_ =	swait.ge [sflag:s22], s20  }
0x9f: {  	s4 =	ssub.s32 $0x0, s20;
	[sflag:s22] =	ssyncset.done $0x0  }
0xa0: {  	[sflag:s22] =	ssyncadd.s32 s4;
	_ =	sdelay $0x1  }
0xa1: {  	s23 =	simm.s32 $0x1B8B  }
0xa2: {  	_ =	swait.ge [sflag:s23], $0x1  }
0xa3: {  	[sflag:s23] =	ssyncset.done $0x0  }
0xa4: {  	s25 =	simm.s32 $0x1B8E;
	s24 =	sld [smem:$0x3FFE];
	[sflag:s23] =	ssyncadd.s32 $0xFFFFFFFF  }
0xa5: {  	s26 =	simm.s32 $execute0_lowered;
	[smem:$0x3FD2] =	sst s25  }
0xa6: {  	s5 =	sshll.u32 s26, $0x1;
	_ =	strace $0x80000046;
	[dreg:$0x1] =	wrdreg $0xFFFFFFFF  }
0xa7: {  	s28 =	simm.s32 $_size_execute0_lowered;
	s3 =	sadd.s32 s3, s5;
	[dreg:$0x0] =	wrdreg $0x0  }
0xa8: {  	s5 =	sshll.u32 s28, $0x1;
	[dreg:$0x2] =	wrdreg s3  }
0xa9: {  	[dreg:$0x3] =	wrdreg s5  }
0xaa: {  	[dreg:$0x4] =	wrdreg $0xC0  }
0xab: {  	_ =	task [dreg:s7], $0x5FFFF  }
0xac: {  	[dreg:$0x1] =	wrdreg $0xFFFFFFFF  }
0xad: {  	[dreg:$0x0] =	wrdreg $0x60  }
0xae: {  	[dreg:$0x2] =	wrdreg s2  }
0xaf: {  	[dreg:$0x3] =	wrdreg s24  }
0xb0: {  	[dreg:$0x4] =	wrdreg $0x9  }
0xb1: {  	_ =	task.clear_ibuf [dreg:s7], $0x5FFFF;
	_ =	strace $0x90000046  }
0xb2: {  	s29 =	simm.s32 $0x9;
	_ =	strace $0x80000048  }
0xb3: {  	_ =	swait.ge [sflag:s29], $0x1  }
0xb4: {  	[sflag:s29] =	ssyncadd.s32 $0xFFFFFFFF  }
0xb5: {  	_ =	strace $0x90000048  }
0xb6: {  	_ =	sfence  }
0xb7: {  	s30 =	sld [smem:$0x0];
	_ =	sdelay $0x2  }
0xb8: {  	s31 =	sshll.u32 s1, $0xD;
	s1 =	sshrl.u32 s1, $0x2  }
0xb9: {  	s3 =	sand.u32 $0x4000, s31;
	s1 =	sadd.s32 s1, s30  }
0xba: {  	s0 =	sor.u32 s3, s0;
	s1 =	sshll.u32 s1, $0x11  }
0xbb: {  	s0 =	sor.u32 s1, s0  }
0xbc: {  	s0 =	sadd.s32 $0x8F2B, s0  }
0xbd: {  	[sflag:s0] =	ssyncadd.remote.s32 $0x1  }
0xbe: {  	_ =	sfence.sel $0xFFFF  }
0xbf: {  	[dreg:$0x0] =	wrdreg $0xFFFFFFFF;
	(pc) =	sbr.abs _section_cstart, $3  }
0xc0: {  	[dreg:$0x1] =	wrdreg $0xFFFFFFFF  }
0xc1: {  	_ =	task.clear_ibuf [dreg:s7], $0x2FFFF;
	_ =	strace $0x9FFFFFFF  }
0xc2: {  	(tm) =	ssettm $0x7FFFFFFF  }
0xc3: {  	_ =	shalt  }
tec
execute0_lowered:
.L_overlay_start_1:
0x0: {  	(tag) =	ssettag $0x1  }
0x1: {  	s3 =	rddreg [dreg:$0x0];
	s1 =	srdreg.scid  }
0x2: {  	s0 =	stileid.u32;
	s8 =	rddreg [dreg:$0x1];
	s11 =	simm.s32 $0x400  }
0x3: {  	s12 =	simm.s32 $0x4000;
	s13 =	simm.s32 $0x8000;
	s14 =	simm.s32 $0x1  }
0x4: {  	s15 =	simm.s32 $0xC000;
	s16 =	simm.s32 $0x2;
	s17 =	simm.s32 $0x3  }
0x5: {  	s18 =	simm.s32 $0x4;
	s19 =	simm.s32 $0x10000;
	s20 =	simm.s32 $0x5  }
0x6: {  	s21 =	simm.s32 $0x0;
	s4 =	sand.u32 $0x1, s1;
	s2 =	sshll.u32 s0, $0x1  }
0x7: {  	s1 =	rddreg [dreg:$0x2];
	s7 =	sor.u32 s4, s2;
	s2 =	simm.s32 $0x0  }
0x8: {  	s4 =	ssub.s32 $0x2, s4;
	s5 =	sshll.u32 s7, $0xF;
	[smem:$0x7FF] =	sst s2  }
0x9: {  	s6 =	sshrl.u32 s4, $0x1;
	s10 =	sshll.u32 s7, $0x4;
	s3 =	sadd.s32 s3, s5  }
0xa: {  	_ =	strace $0x80000047;
	s9 =	ssub.s32 s4, s6;
	s8 =	sadd.s32 s8, s10  }
0xb: {  	s10 =	simm.s32 $0x80;
	s4 =	sadd.s32 $0x10, s3;
	s5 =	sadd.s32 $0x4010, s3  }
0xc: {  	s6 =	sadd.s32 $0x20, s3;
	s7 =	sadd.s32 $0x4000, s3;
	s9 =	smax.u32 s9, $0x1  }
.LBB2_1:
0xd: {  	[tilespmem:s2], [sflag:$0x1] =	stream.strided.gather [hbm4b:s4+s10], $0x4000, s11, s10, $0x38;
	[tilespmem:$0x10080] =	vst v63  }
0xe: {  	_ = 	snop  }
0xf: {  	[tilespmem:s12], [sflag:$0x2] =	stream.strided.gather [hbm4b:s5+s10], $0x4000, s11, s10, $0x38;
	[tilespmem:$0x10080] =	vst v63  }
0x10: {  	s22 =	simm.s32 $0x0  }
0x11: {  	v0 =	vimm.s32 $0x0;
	[tilespmem:s13], [sflag:$0x3] =	stream.strided.gather [hbm4b:s6+s10], $0x4000, s11, s10, $0x38;
	[tilespmem:$0x10080] =	vst v63  }
.LBB2_2:
0x12: {  	s23 =	sshrl.u32 s22, $0x1;
	s24 =	sand.u32 $0x1, s22  }
0x13: {  	p0 =	seq.s32 s24, $0x1;
	p1 =	sne.s32 s23, $0x0  }
0x14: {  	p0 =	por !p1, !p0  }
0x15: {  	s30 =	sshll.u32 s22, $0x1;
	s25 =	simm.s32 $0x1;
	p0 =	por !p0, !p0  }
0x16: {  	s24 =	sand.u32 $0x2, s30;
	s25 =	simm.s32 @!p0 $0x0  }
0x17: {  	s23 =	sshll.u32 s23, $0x14;
	s24 =	sor.u32 s25, s24  }
0x18: {  	_ =	swait.ge [sflag:s14], $0x4000;
	s23 =	sadd.s32 s23, s7;
	s24 =	sshll.u32 s24, $0x4  }
0x19: {  	[sflag:s14] =	ssyncset.done $0x0;
	s23 =	sadd.s32 s23, s24  }
0x1a: {  	s31 =	simm.s32 $0x0;
	[sflag:s14] =	ssyncadd.s32 $0xFFFFC000;
	s23 =	sadd.s32 $0x20, s23  }
0x1b: {  	[tilespmem:s15], [sflag:$0x4] =	stream.strided.gather [hbm4b:s23+s10], $0x4000, s11, s10, $0x38;
	[tilespmem:$0x10080] =	vst v63  }
0x1c: {  	v1 =	vld [tilespmem:s31+$0x0];
	_ =	sdelay $0x1  }
0x1d: {  	v5 =	vld [tilespmem:s31+$0x10]  }
0x1e: {  	v6 =	vld [tilespmem:s31+$0x20]  }
0x1f: {  	v4 =	vld [tilespmem:s31+$0x30]  }
0x20: {  	v3 =	vld [tilespmem:s31+$0x40];
	v1 =	vand.u32 $0x7FFFFFFF, v1  }
0x21: {  	v2 =	vld [tilespmem:s31+$0x50];
	vm0 =	vgt.s32 v0, v1  }
0x22: {  	v5 =	vand.u32 $0x7FFFFFFF, v5;
	v1 =	vsel vm0, v0, v1;
	v0 =	vld [tilespmem:s31+$0x60]  }
0x23: {  	s24 =	simm.s32 $0x80;
	s23 =	simm.s32 $0x400;
	v6 =	vand.u32 $0x7FFFFFFF, v6;
	v5 =	vmax.u32 v1, v5;
	v1 =	vld [tilespmem:s31+$0x70]  }
.LBB2_3:
0x24: {  	p0 =	sne.s32 s23, $0xFE00;
	v7 =	vld [tilespmem:s24+$0x0];
	v5 =	vmax.u32 v5, v6;
	v4 =	vand.u32 $0x7FFFFFFF, v4  }
0x25: {  	v4 =	vmax.u32 v5, v4;
	v3 =	vand.u32 $0x7FFFFFFF, v3  }
0x26: {  	v5 =	vld [tilespmem:s24+$0x10];
	v3 =	vmax.u32 v4, v3;
	v2 =	vand.u32 $0x7FFFFFFF, v2  }
0x27: {  	v6 =	vld [tilespmem:s24+$0x20];
	v2 =	vmax.u32 v3, v2;
	v0 =	vand.u32 $0x7FFFFFFF, v0  }
.Ltmp0:
0x28: {  	v4 =	vld [tilespmem:s24+$0x30];
	v0 =	vmax.u32 v2, v0;
	v1 =	vand.u32 $0x7FFFFFFF, v1;
	(pc) =	sbr.rel @p0 .LBB2_3-.Ltmp0, $4  }
0x29: {  	v7 =	vand.u32 $0x7FFFFFFF, v7;
	v3 =	vld [tilespmem:s24+$0x40];
	v0 =	vmax.u32 v0, v1  }
0x2a: {  	vm0 =	vgt.s32 v0, v7;
	v2 =	vld [tilespmem:s24+$0x50]  }
0x2b: {  	v1 =	vsel vm0, v0, v7;
	v5 =	vand.u32 $0x7FFFFFFF, v5;
	v0 =	vld [tilespmem:s24+$0x60]  }
0x2c: {  	v5 =	vmax.u32 v1, v5;
	v6 =	vand.u32 $0x7FFFFFFF, v6;
	v1 =	vld [tilespmem:s24+$0x70];
	s24 =	sshra.s32 s23, $0x2;
	s23 =	sadd.s32 $0x200, s23  }
0x2d: {  	s23 =	sshll.u32 s22, $0x2;
	p0 =	seq.s32 s22, $0x5  }
0x2e: {  	s25 =	sadd.s32 @!p0 $0x4, s23  }
0x2f: {  	v7 =	vld [tilespmem:s24+$0x0];
	s26 =	sshrl.u32 @!p0 s25, $0x2  }
0x30: {  	v8 =	vld [tilespmem:s24+$0x10];
	s28 =	sshrl.u32 @!p0 s25, $0x3;
	s26 =	sand.u32 @!p0 $0x1, s26  }
0x31: {  	v9 =	vld [tilespmem:s24+$0x20];
	p2 =	sne.s32 @!p0 s28, $0x0;
	p1 =	seq.s32 @!p0 s26, $0x1  }
0x32: {  	v10 =	vld [tilespmem:s24+$0x30];
	v5 =	vmax.u32 v5, v6;
	v4 =	vand.u32 $0x7FFFFFFF, v4;
	p1 =	por @!p0 !p2, !p1  }
0x33: {  	v11 =	vld [tilespmem:s24+$0x40];
	v4 =	vmax.u32 v5, v4;
	v3 =	vand.u32 $0x7FFFFFFF, v3;
	p1 =	por @!p0 !p1, !p1  }
0x34: {  	v6 =	vld [tilespmem:s24+$0x50];
	s25 =	sshrl.u32 @!p0 s25, $0x1;
	v3 =	vmax.u32 v4, v3;
	v2 =	vand.u32 $0x7FFFFFFF, v2;
	s26 =	simm.s32 @!p0 $0x1;
	p1 =	por !p1, p0  }
0x35: {  	s31 =	simm.s32 $0x0;
	v5 =	vld [tilespmem:s24+$0x60];
	s25 =	sand.u32 @!p0 $0x2, s25;
	v2 =	vmax.u32 v3, v2;
	v0 =	vand.u32 $0x7FFFFFFF, v0;
	s26 =	simm.s32 @p1 $0x0  }
0x36: {  	v4 =	vld [tilespmem:s24+$0x70];
	_ =	swait.ge [sflag:s16], $0x4000;
	s24 =	sshll.u32 @!p0 s28, $0x14;
	v0 =	vmax.u32 v2, v0;
	v1 =	vand.u32 $0x7FFFFFFF, v1;
	s25 =	sor.u32 @!p0 s25, s26  }
0x37: {  	[sflag:s16] =	ssyncset.done $0x0;
	s24 =	sadd.s32 @!p0 s24, s3;
	v0 =	vmax.u32 v0, v1;
	v1 =	vand.u32 $0x7FFFFFFF, v7;
	s25 =	sshll.u32 @!p0 s25, $0x4  }
0x38: {  	s28 =	simm.s32 @!p0 $0x0;
	[sflag:s16] =	ssyncadd.s32 $0xFFFFC000;
	vm0 =	vgt.s32 v0, v1;
	s24 =	sadd.s32 @!p0 s24, s25  }
0x39: {  	v0 =	vsel vm0, v0, v1;
	v1 =	vand.u32 $0x7FFFFFFF, v8;
	s26 =	simm.s32 @!p0 $0x400;
	s25 =	simm.s32 @!p0 $0x80;
	s24 =	sadd.s32 @!p0 $0x10, s24  }
0x3a: {  	v0 =	vmax.u32 v0, v1;
	v1 =	vand.u32 $0x7FFFFFFF, v9;
	[tilespmem:s28], [sflag:$0x1] =	stream.strided.gather @!p0 [hbm4b:s24+s25], $0x4000, s26, s25, $0x38;
	[tilespmem:$0x10080] =	vst v63  }
0x3b: {  	v0 =	vmax.u32 v0, v1;
	v1 =	vand.u32 $0x7FFFFFFF, v10;
	v2 =	vld [tilespmem:s31+$0x4000]  }
0x3c: {  	v0 =	vmax.u32 v0, v1;
	v1 =	vand.u32 $0x7FFFFFFF, v11  }
0x3d: {  	v0 =	vmax.u32 v0, v1;
	v1 =	vand.u32 $0x7FFFFFFF, v6;
	v6 =	vld [tilespmem:s31+$0x4010]  }
0x3e: {  	v0 =	vmax.u32 v0, v1;
	v1 =	vand.u32 $0x7FFFFFFF, v5;
	v7 =	vld [tilespmem:s31+$0x4020]  }
0x3f: {  	v0 =	vmax.u32 v0, v1;
	v1 =	vand.u32 $0x7FFFFFFF, v4;
	v4 =	vld [tilespmem:s31+$0x4030]  }
0x40: {  	v0 =	vmax.u32 v0, v1;
	v3 =	vld [tilespmem:s31+$0x4040];
	v1 =	vand.u32 $0x7FFFFFFF, v2  }
0x41: {  	v2 =	vld [tilespmem:s31+$0x4050];
	vm15 =	vgt.s32 v0, v1  }
0x42: {  	v5 =	vand.u32 $0x7FFFFFFF, v6;
	v1 =	vsel vm15, v0, v1;
	v0 =	vld [tilespmem:s31+$0x4060]  }
0x43: {  	s24 =	simm.s32 $0x80;
	s25 =	simm.s32 $0x400;
	v6 =	vand.u32 $0x7FFFFFFF, v7;
	v5 =	vmax.u32 v1, v5;
	v1 =	vld [tilespmem:s31+$0x4070]  }
.LBB2_5:
0x44: {  	p1 =	sne.s32 s25, $0xFE00;
	v7 =	vld [tilespmem:s24+$0x4000];
	v5 =	vmax.u32 v5, v6;
	v4 =	vand.u32 $0x7FFFFFFF, v4  }
0x45: {  	v4 =	vmax.u32 v5, v4;
	v3 =	vand.u32 $0x7FFFFFFF, v3  }
0x46: {  	v5 =	vld [tilespmem:s24+$0x4010];
	v3 =	vmax.u32 v4, v3;
	v2 =	vand.u32 $0x7FFFFFFF, v2  }
0x47: {  	v6 =	vld [tilespmem:s24+$0x4020];
	v2 =	vmax.u32 v3, v2;
	v0 =	vand.u32 $0x7FFFFFFF, v0  }
.Ltmp1:
0x48: {  	v4 =	vld [tilespmem:s24+$0x4030];
	v0 =	vmax.u32 v2, v0;
	v1 =	vand.u32 $0x7FFFFFFF, v1;
	(pc) =	sbr.rel @p1 .LBB2_5-.Ltmp1, $4  }
0x49: {  	v7 =	vand.u32 $0x7FFFFFFF, v7;
	v3 =	vld [tilespmem:s24+$0x4040];
	v0 =	vmax.u32 v0, v1  }
0x4a: {  	vm0 =	vgt.s32 v0, v7;
	v2 =	vld [tilespmem:s24+$0x4050]  }
0x4b: {  	v1 =	vsel vm0, v0, v7;
	v5 =	vand.u32 $0x7FFFFFFF, v5;
	v0 =	vld [tilespmem:s24+$0x4060]  }
0x4c: {  	v5 =	vmax.u32 v1, v5;
	v6 =	vand.u32 $0x7FFFFFFF, v6;
	v1 =	vld [tilespmem:s24+$0x4070];
	s24 =	sshra.s32 s25, $0x2;
	s25 =	sadd.s32 $0x200, s25  }
0x4d: {  	s25 =	sadd.s32 @!p0 $0x5, s23  }
0x4e: {  	v7 =	vld [tilespmem:s24+$0x4000];
	s26 =	sshrl.u32 @!p0 s25, $0x2  }
0x4f: {  	v8 =	vld [tilespmem:s24+$0x4010];
	s28 =	sshrl.u32 @!p0 s25, $0x3;
	s26 =	sand.u32 @!p0 $0x1, s26  }
0x50: {  	v9 =	vld [tilespmem:s24+$0x4020];
	p2 =	sne.s32 @!p0 s28, $0x0;
	p1 =	seq.s32 @!p0 s26, $0x1  }
0x51: {  	v10 =	vld [tilespmem:s24+$0x4030];
	v5 =	vmax.u32 v5, v6;
	v4 =	vand.u32 $0x7FFFFFFF, v4;
	p1 =	por @!p0 !p2, !p1  }
0x52: {  	v11 =	vld [tilespmem:s24+$0x4040];
	v4 =	vmax.u32 v5, v4;
	v3 =	vand.u32 $0x7FFFFFFF, v3;
	p1 =	por @!p0 !p1, !p1  }
0x53: {  	v6 =	vld [tilespmem:s24+$0x4050];
	s25 =	sshrl.u32 @!p0 s25, $0x1;
	v3 =	vmax.u32 v4, v3;
	v2 =	vand.u32 $0x7FFFFFFF, v2;
	s26 =	simm.s32 @!p0 $0x1;
	p1 =	por !p1, p0  }
0x54: {  	s31 =	simm.s32 $0x0;
	v5 =	vld [tilespmem:s24+$0x4060];
	s25 =	sand.u32 @!p0 $0x2, s25;
	v2 =	vmax.u32 v3, v2;
	v0 =	vand.u32 $0x7FFFFFFF, v0;
	s26 =	simm.s32 @p1 $0x0  }
0x55: {  	v4 =	vld [tilespmem:s24+$0x4070];
	s24 =	sshll.u32 @!p0 s28, $0x14;
	_ =	swait.ge [sflag:s17], $0x4000;
	v0 =	vmax.u32 v2, v0;
	v1 =	vand.u32 $0x7FFFFFFF, v1;
	s25 =	sor.u32 @!p0 s25, s26  }
0x56: {  	s24 =	sadd.s32 @!p0 s24, s7;
	[sflag:s17] =	ssyncset.done $0x0;
	v0 =	vmax.u32 v0, v1;
	v1 =	vand.u32 $0x7FFFFFFF, v7;
	s25 =	sshll.u32 @!p0 s25, $0x4  }
0x57: {  	s28 =	simm.s32 @!p0 $0x4000;
	[sflag:s17] =	ssyncadd.s32 $0xFFFFC000;
	vm0 =	vgt.s32 v0, v1;
	s24 =	sadd.s32 @!p0 s24, s25  }
0x58: {  	v0 =	vsel vm0, v0, v1;
	v1 =	vand.u32 $0x7FFFFFFF, v8;
	s26 =	simm.s32 @!p0 $0x400;
	s25 =	simm.s32 @!p0 $0x80;
	s24 =	sadd.s32 @!p0 $0x10, s24  }
0x59: {  	v0 =	vmax.u32 v0, v1;
	v1 =	vand.u32 $0x7FFFFFFF, v9;
	[tilespmem:s28], [sflag:$0x2] =	stream.strided.gather @!p0 [hbm4b:s24+s25], $0x4000, s26, s25, $0x38;
	[tilespmem:$0x10080] =	vst v63  }
0x5a: {  	v0 =	vmax.u32 v0, v1;
	v1 =	vand.u32 $0x7FFFFFFF, v10;
	v2 =	vld [tilespmem:s31+$0x8000]  }
0x5b: {  	v0 =	vmax.u32 v0, v1;
	v1 =	vand.u32 $0x7FFFFFFF, v11  }
0x5c: {  	v0 =	vmax.u32 v0, v1;
	v1 =	vand.u32 $0x7FFFFFFF, v6;
	v6 =	vld [tilespmem:s31+$0x8010]  }
0x5d: {  	v0 =	vmax.u32 v0, v1;
	v1 =	vand.u32 $0x7FFFFFFF, v5;
	v7 =	vld [tilespmem:s31+$0x8020]  }
0x5e: {  	v0 =	vmax.u32 v0, v1;
	v1 =	vand.u32 $0x7FFFFFFF, v4;
	v3 =	vld [tilespmem:s31+$0x8030]  }
0x5f: {  	v4 =	vld [tilespmem:s31+$0x8040];
	v0 =	vmax.u32 v0, v1;
	v1 =	vand.u32 $0x7FFFFFFF, v2  }
0x60: {  	v2 =	vld [tilespmem:s31+$0x8050];
	vm15 =	vgt.s32 v0, v1  }
0x61: {  	v5 =	vand.u32 $0x7FFFFFFF, v6;
	v1 =	vsel vm15, v0, v1;
	v0 =	vld [tilespmem:s31+$0x8060]  }
0x62: {  	s24 =	simm.s32 $0x80;
	s25 =	simm.s32 $0x400;
	v6 =	vand.u32 $0x7FFFFFFF, v7;
	v5 =	vmax.u32 v1, v5;
	v1 =	vld [tilespmem:s31+$0x8070]  }
.LBB2_7:
0x63: {  	p1 =	sne.s32 s25, $0xFE00;
	v7 =	vld [tilespmem:s24+$0x8000];
	v5 =	vmax.u32 v5, v6;
	v3 =	vand.u32 $0x7FFFFFFF, v3  }
0x64: {  	v3 =	vmax.u32 v5, v3;
	v4 =	vand.u32 $0x7FFFFFFF, v4  }
0x65: {  	v5 =	vld [tilespmem:s24+$0x8010];
	v3 =	vmax.u32 v3, v4;
	v2 =	vand.u32 $0x7FFFFFFF, v2  }
0x66: {  	v6 =	vld [tilespmem:s24+$0x8020];
	v2 =	vmax.u32 v3, v2;
	v0 =	vand.u32 $0x7FFFFFFF, v0  }
.Ltmp2:
0x67: {  	v3 =	vld [tilespmem:s24+$0x8030];
	v0 =	vmax.u32 v2, v0;
	v1 =	vand.u32 $0x7FFFFFFF, v1;
	(pc) =	sbr.rel @p1 .LBB2_7-.Ltmp2, $4  }
0x68: {  	v7 =	vand.u32 $0x7FFFFFFF, v7;
	v4 =	vld [tilespmem:s24+$0x8040];
	v0 =	vmax.u32 v0, v1  }
0x69: {  	vm0 =	vgt.s32 v0, v7;
	v2 =	vld [tilespmem:s24+$0x8050]  }
0x6a: {  	v1 =	vsel vm0, v0, v7;
	v5 =	vand.u32 $0x7FFFFFFF, v5;
	v0 =	vld [tilespmem:s24+$0x8060]  }
0x6b: {  	v5 =	vmax.u32 v1, v5;
	v6 =	vand.u32 $0x7FFFFFFF, v6;
	v1 =	vld [tilespmem:s24+$0x8070];
	s24 =	sshra.s32 s25, $0x2;
	s25 =	sadd.s32 $0x200, s25  }
0x6c: {  	s23 =	sadd.s32 @!p0 $0x6, s23  }
0x6d: {  	v7 =	vld [tilespmem:s24+$0x8000];
	s25 =	sshrl.u32 @!p0 s23, $0x1  }
0x6e: {  	v8 =	vld [tilespmem:s24+$0x8010];
	s23 =	sshrl.u32 @!p0 s23, $0x3;
	s25 =	sand.u32 @!p0 $0x3, s25  }
0x6f: {  	v9 =	vld [tilespmem:s24+$0x8020];
	p2 =	sne.s32 @!p0 s23, $0x0;
	p1 =	sne.s32 @!p0 s25, $0x1  }
0x70: {  	v10 =	vld [tilespmem:s24+$0x8030];
	v5 =	vmax.u32 v5, v6;
	v3 =	vand.u32 $0x7FFFFFFF, v3;
	p1 =	por @!p0 !p2, !p1  }
0x71: {  	v11 =	vld [tilespmem:s24+$0x8040];
	v3 =	vmax.u32 v5, v3;
	v4 =	vand.u32 $0x7FFFFFFF, v4;
	p1 =	por @!p0 !p1, !p1  }
0x72: {  	v6 =	vld [tilespmem:s24+$0x8050];
	s26 =	simm.s32 @!p0 $0x1;
	v3 =	vmax.u32 v3, v4;
	v2 =	vand.u32 $0x7FFFFFFF, v2;
	p1 =	por !p1, p0  }
0x73: {  	s31 =	simm.s32 $0x0;
	v5 =	vld [tilespmem:s24+$0x8060];
	v2 =	vmax.u32 v3, v2;
	v0 =	vand.u32 $0x7FFFFFFF, v0;
	s26 =	simm.s32 @p1 $0x0  }
0x74: {  	v4 =	vld [tilespmem:s24+$0x8070];
	s23 =	sshll.u32 @!p0 s23, $0x14;
	_ =	swait.ge [sflag:s18], $0x4000;
	v0 =	vmax.u32 v2, v0;
	v1 =	vand.u32 $0x7FFFFFFF, v1;
	s24 =	sadd.s32 @!p0 s26, s25  }
0x75: {  	s23 =	sadd.s32 @!p0 s23, s3;
	[sflag:s18] =	ssyncset.done $0x0;
	v0 =	vmax.u32 v0, v1;
	v1 =	vand.u32 $0x7FFFFFFF, v7;
	s24 =	sshll.u32 @!p0 s24, $0x4  }
0x76: {  	[sflag:s18] =	ssyncadd.s32 $0xFFFFC000;
	vm0 =	vgt.s32 v0, v1;
	s25 =	simm.s32 @!p0 $0x400;
	s23 =	sadd.s32 @!p0 s23, s24  }
0x77: {  	v0 =	vsel vm0, v0, v1;
	v1 =	vand.u32 $0x7FFFFFFF, v8;
	s26 =	simm.s32 @!p0 $0x8000;
	s24 =	simm.s32 @!p0 $0x80;
	s23 =	sadd.s32 @!p0 $0x10, s23  }
0x78: {  	v0 =	vmax.u32 v0, v1;
	v1 =	vand.u32 $0x7FFFFFFF, v9;
	[tilespmem:s26], [sflag:$0x3] =	stream.strided.gather @!p0 [hbm4b:s23+s24], $0x4000, s25, s24, $0x38;
	[tilespmem:$0x10080] =	vst v63  }
0x79: {  	v0 =	vmax.u32 v0, v1;
	v1 =	vand.u32 $0x7FFFFFFF, v10;
	v2 =	vld [tilespmem:s31+$0xC000]  }
0x7a: {  	v0 =	vmax.u32 v0, v1;
	v1 =	vand.u32 $0x7FFFFFFF, v11  }
0x7b: {  	v0 =	vmax.u32 v0, v1;
	v1 =	vand.u32 $0x7FFFFFFF, v6;
	v6 =	vld [tilespmem:s31+$0xC010]  }
0x7c: {  	v0 =	vmax.u32 v0, v1;
	v1 =	vand.u32 $0x7FFFFFFF, v5;
	v7 =	vld [tilespmem:s31+$0xC020]  }
0x7d: {  	v3 =	vand.u32 $0x7FFFFFFF, v4;
	v1 =	vmax.u32 v0, v1;
	v0 =	vld [tilespmem:s31+$0xC030]  }
0x7e: {  	v4 =	vmax.u32 v1, v3;
	v3 =	vld [tilespmem:s31+$0xC040];
	v2 =	vand.u32 $0x7FFFFFFF, v2  }
0x7f: {  	v1 =	vld [tilespmem:s31+$0xC050];
	vm15 =	vgt.s32 v4, v2  }
0x80: {  	v5 =	vand.u32 $0x7FFFFFFF, v6;
	v4 =	vsel vm15, v4, v2;
	v2 =	vld [tilespmem:s31+$0xC060]  }
0x81: {  	s23 =	simm.s32 $0x80;
	s24 =	simm.s32 $0x400;
	v6 =	vand.u32 $0x7FFFFFFF, v7;
	v5 =	vmax.u32 v4, v5;
	v4 =	vld [tilespmem:s31+$0xC070]  }
.LBB2_9:
0x82: {  	p0 =	sne.s32 s24, $0xFE00;
	v7 =	vld [tilespmem:s23+$0xC000];
	v5 =	vmax.u32 v5, v6;
	v0 =	vand.u32 $0x7FFFFFFF, v0  }
0x83: {  	v0 =	vmax.u32 v5, v0;
	v3 =	vand.u32 $0x7FFFFFFF, v3  }
0x84: {  	v5 =	vld [tilespmem:s23+$0xC010];
	v0 =	vmax.u32 v0, v3;
	v1 =	vand.u32 $0x7FFFFFFF, v1  }
0x85: {  	v6 =	vld [tilespmem:s23+$0xC020];
	v1 =	vmax.u32 v0, v1;
	v2 =	vand.u32 $0x7FFFFFFF, v2  }
.Ltmp3:
0x86: {  	v0 =	vld [tilespmem:s23+$0xC030];
	v1 =	vmax.u32 v1, v2;
	v2 =	vand.u32 $0x7FFFFFFF, v4;
	(pc) =	sbr.rel @p0 .LBB2_9-.Ltmp3, $4  }
0x87: {  	v4 =	vand.u32 $0x7FFFFFFF, v7;
	v3 =	vld [tilespmem:s23+$0xC040];
	v2 =	vmax.u32 v1, v2  }
0x88: {  	vm0 =	vgt.s32 v2, v4;
	v1 =	vld [tilespmem:s23+$0xC050]  }
0x89: {  	v4 =	vsel vm0, v2, v4;
	v5 =	vand.u32 $0x7FFFFFFF, v5;
	v2 =	vld [tilespmem:s23+$0xC060]  }
0x8a: {  	v5 =	vmax.u32 v4, v5;
	v6 =	vand.u32 $0x7FFFFFFF, v6;
	v4 =	vld [tilespmem:s23+$0xC070];
	s23 =	sshra.s32 s24, $0x2;
	s24 =	sadd.s32 $0x200, s24  }
0x8b: {  	v7 =	vld [tilespmem:s23+$0xC000];
	v5 =	vmax.u32 v5, v6;
	v0 =	vand.u32 $0x7FFFFFFF, v0  }
0x8c: {  	v0 =	vmax.u32 v5, v0;
	v3 =	vand.u32 $0x7FFFFFFF, v3  }
0x8d: {  	v58 =	vld [tilespmem:s23+$0xC010];
	v0 =	vmax.u32 v0, v3;
	v1 =	vand.u32 $0x7FFFFFFF, v1  }
0x8e: {  	v3 =	vld [tilespmem:s23+$0xC020];
	v0 =	vmax.u32 v0, v1;
	v1 =	vand.u32 $0x7FFFFFFF, v2  }
0x8f: {  	v2 =	vld [tilespmem:s23+$0xC030];
	v0 =	vmax.u32 v0, v1;
	v1 =	vand.u32 $0x7FFFFFFF, v4  }
0x90: {  	v60 =	vld [tilespmem:s23+$0xC040];
	v59 =	vand.u32 $0x7FFFFFFF, v7;
	v0 =	vmax.u32 v0, v1  }
0x91: {  	v1 =	vld [tilespmem:s23+$0xC050];
	vm0 =	vgt.s32 v0, v59  }
0x92: {  	v62 =	vld [tilespmem:s23+$0xC060];
	v61 =	vand.u32 $0x7FFFFFFF, v58;
	v0 =	vsel vm0, v0, v59  }
0x93: {  	v63 =	vld [tilespmem:s23+$0xC070];
	s22 =	sadd.s32 $0x1, s22;
	v3 =	vand.u32 $0x7FFFFFFF, v3;
	v0 =	vmax.u32 v0, v61  }
0x94: {  	p0 =	sne.s32 s22, $0x6;
	v2 =	vand.u32 $0x7FFFFFFF, v2;
	v0 =	vmax.u32 v0, v3  }
.Ltmp4:
0x95: {  	v0 =	vmax.u32 v0, v2;
	v2 =	vand.u32 $0x7FFFFFFF, v60;
	(pc) =	sbr.rel @p0 .LBB2_2-.Ltmp4, $4  }
0x96: {  	v1 =	vand.u32 $0x7FFFFFFF, v1;
	v0 =	vmax.u32 v0, v2  }
0x97: {  	v0 =	vmax.u32 v0, v1;
	v1 =	vand.u32 $0x7FFFFFFF, v62  }
0x98: {  	v0 =	vmax.u32 v0, v1;
	v1 =	vand.u32 $0x7FFFFFFF, v63  }
0x99: {  	v0 =	vmax.u32 v0, v1  }
0x9a: {  	s21 =	sadd.s32 $0x1, s21  }
0x9b: {  	p0 =	sne.s32 s21, s9  }
.Ltmp5:
0x9c: {  	[tilespmem:$0x10000] =	vst v0;
	(pc) =	sbr.rel @p0 .LBB2_1-.Ltmp5, $4  }
0x9d: {  	[hbm4b:s8+s2] =	stream.linear.scatter [tilespmem:s19], [sflag:$0x5], $0x80, $0x38;
	[tilespmem:$0x10080] =	vst v63  }
0x9e: {  	_ =	swait.ge [sflag:s20], $0x80  }
0x9f: {  	[sflag:s20] =	ssyncset.done $0x0  }
0xa0: {  	[sflag:s20] =	ssyncadd.s32 $0xFFFFFF80  }
0xa1: {  	_ =	sfence.sel $0x180000  }
0xa2: {  	[bflag:$0x0] =	sbarrier.arrive $0xFFFF  }
0xa3: {  	p0 =	sne.s32 s0, $0x0;
	_ =	strace $0x90000047  }
0xa4: {  	s0 =	sadd.s32 @!p0 $0x100000, s1;
	[bflag:$0x2] =	sbarrier.arrive $0xFFFF  }
0xa5: {  	[sflag:s0] =	ssyncadd.tile.s32 @!p0 $0x1;
	_ =	shalt  }
.Lfunc_end2:
_tile_overlayer_lowered:
.L_overlay_start_2:
0xa6: {  	(tag) =	ssettag $0x2  }
0xa7: {  	s0 =	rddreg [dreg:$0x0];
	s2 =	stileid.u32  }
0xa8: {  	s1 =	rddreg [dreg:$0x1];
	p0 =	sne.s32 s2, $0x0  }
0xa9: {  	s3 =	rddreg [dreg:$0x2];
	[bflag:$0x3] =	sbarrier.arrive $0xFFFF;
	s2 =	simm.s32 @!p0 $0x1C05  }
0xaa: {  	[timem:s3], [sflag:s2] =	dma.local @!p0 [hbm:s0], s1  }
0xab: {  	s0 =	simm.s32 @!p0 $0x5  }
0xac: {  	_ =	swait.ge @!p0 [sflag:s0], s1  }
0xad: {  	s1 =	ssub.s32 @!p0 $0x0, s1;
	[sflag:s0] =	ssyncset.done @!p0 $0x0  }
0xae: {  	[sflag:s0] =	ssyncadd.s32 @!p0 s1  }
0xaf: {  	[bflag:$0x3] =	sbarrier.arrive $0xFFFF  }
0xb0: {  	_ =	shalt  }

</sc_bundles>
